<compile_context>
chip_gen: v7x
topology: tpu7x:2x2x1
jax: 0.10.2.dev20260603
libtpu: 0.0.44.dev20260713+nightly
codegen_flags: <defaults>
</compile_context>

<pallas_src>
import functools

import jax
import jax.numpy as jnp
from jax import lax
from jax.experimental import pallas as pl
from jax.experimental.pallas import tpu as pltpu
from jax.experimental.pallas import tpu_sc as plsc

B = 4
T1 = 1024
C = 1024
RM = 512
TOUT = 2 * T1 - RM
UNM = T1 - RM

NS = 16
NW = 2 * NS
RPW = B * UNM // NW


def _prep_compute(xr, bi, ob, sb):
    a = xr[:, :C]
    bb = xr[:, C:]
    scores = lax.dot_general(a, bb, (((1,), (1,)), ((), ())),
                             preferred_element_type=jnp.float32)
    lane = lax.broadcasted_iota(jnp.int32, (T1, T1), 1)
    sub = lax.broadcasted_iota(jnp.int32, (T1, T1), 0)
    big = jnp.int32(T1)

    kcol = jnp.max(scores, axis=1, keepdims=True)
    krow = lax.transpose(kcol, (1, 0))
    icol = jnp.min(jnp.where(scores == kcol, lane, big), axis=1, keepdims=True)
    irow = lax.transpose(icol, (1, 0))

    mc = (krow > kcol) | ((krow == kcol) & (lane < sub))
    rcol = jnp.sum(mc.astype(jnp.int32), axis=1, keepdims=True)
    mgrow = lax.transpose(rcol, (1, 0)) < RM

    w = ((irow == sub) & mgrow).astype(jnp.float32)
    msum = lax.dot_general(w.astype(jnp.bfloat16), a.astype(jnp.bfloat16),
                           (((1,), (0,)), ((), ())),
                           preferred_element_type=jnp.float32)
    counts = 1.0 + jnp.sum(w, axis=1, keepdims=True)
    ob[...] = (bb + msum) * (1.0 / counts)

    inv = jnp.sum(jnp.where(rcol == lane, sub, 0), axis=0, keepdims=True)
    sb[...] = bi * (2 * T1) + 2 * inv


def _prep_body(x_hbm, out_hbm, src_hbm,
               xb0, xb1, ob0, ob1, sb0, sb1,
               six0, six1, sob0, sob1, ssb0, ssb1):
    xb = (xb0, xb1)
    ob = (ob0, ob1)
    sb = (sb0, sb1)
    six = (six0, six1)
    sob = (sob0, sob1)
    ssb = (ssb0, ssb1)

    nsp = 8
    tin = T1 // nsp

    def in_copies(bi):
        k = bi % 2
        return [pltpu.make_async_copy(
                    x_hbm.at[bi, pl.ds(j * tin, tin)],
                    xb[k].at[pl.ds(j * tin, tin)], six[k])
                for j in range(nsp)]

    def out_copies(bi):
        k = bi % 2
        return [pltpu.make_async_copy(
                    ob[k].at[pl.ds(j * tin, tin)],
                    out_hbm.at[pl.ds(bi * TOUT + RM + j * tin, tin)], sob[k])
                for j in range(nsp)]

    for cp in in_copies(0):
        cp.start()
    for bi in range(B):
        if bi + 1 < B:
            for cp in in_copies(bi + 1):
                cp.start()
        for cp in in_copies(bi):
            cp.wait()
        k = bi % 2
        if bi >= 2:
            for cp in out_copies(bi - 2):
                cp.wait()
            pltpu.make_async_copy(sb[k], src_hbm.at[bi - 2], ssb[k]).wait()
        _prep_compute(xb[k][...], bi, ob[k], sb[k])
        for cp in out_copies(bi):
            cp.start()
        pltpu.make_async_copy(sb[k], src_hbm.at[bi], ssb[k]).start()
    for bi in (B - 2, B - 1):
        k = bi % 2
        for cp in out_copies(bi):
            cp.wait()
        pltpu.make_async_copy(sb[k], src_hbm.at[bi], ssb[k]).wait()


def _prep(x4):
    return pl.pallas_call(
        _prep_body,
        in_specs=[pl.BlockSpec(memory_space=pl.ANY)],
        out_specs=[pl.BlockSpec(memory_space=pl.ANY),
                   pl.BlockSpec(memory_space=pl.ANY)],
        out_shape=[jax.ShapeDtypeStruct((B * TOUT, C), jnp.float32),
                   jax.ShapeDtypeStruct((B, 1, T1), jnp.int32)],
        scratch_shapes=[pltpu.VMEM((T1, 2 * C), jnp.float32),
                        pltpu.VMEM((T1, 2 * C), jnp.float32),
                        pltpu.VMEM((T1, C), jnp.float32),
                        pltpu.VMEM((T1, C), jnp.float32),
                        pltpu.VMEM((1, T1), jnp.int32),
                        pltpu.VMEM((1, T1), jnp.int32),
                        pltpu.SemaphoreType.DMA,
                        pltpu.SemaphoreType.DMA,
                        pltpu.SemaphoreType.DMA,
                        pltpu.SemaphoreType.DMA,
                        pltpu.SemaphoreType.DMA,
                        pltpu.SemaphoreType.DMA],
    )(x4)


BPT = B * T1 // NW


def _route_body(x_hbm, src_hbm, out_hbm, buf, idx, sem):
    c = lax.axis_index("c")
    s = lax.axis_index("s")
    wid = s * 2 + c
    base = wid * RPW
    bi = wid // (UNM // RPW)
    q0 = (wid % (UNM // RPW)) * RPW
    pltpu.sync_copy(src_hbm.at[pl.ds(base, RPW)], idx)
    pltpu.async_copy(x_hbm.at[idx], buf, sem).wait()
    pltpu.sync_copy(buf, out_hbm.at[pl.ds(bi * TOUT + q0, RPW)])


@functools.cache
def _make_route():
    return functools.partial(
        pl.kernel,
        mesh=plsc.VectorSubcoreMesh(core_axis_name="c", subcore_axis_name="s"),
        out_type=(),
        scratch_types=[pltpu.VMEM((RPW, C), jnp.float32),
                       pltpu.VMEM((RPW,), jnp.int32),
                       pltpu.SemaphoreType.DMA],
    )(_route_body)


def kernel(x):
    full, src = _prep(x.reshape(B, T1, 2 * C))
    src_unm = src.reshape(B, T1)[:, RM:].reshape(B * UNM)
    ref = jax.new_ref(full)
    _make_route()(x.reshape(2 * B * T1, C), src_unm, ref)
    return ref[...].reshape(B, TOUT, C)

# --- scband reference (transcript-rebuilt; emitter-appended) ---
"""Pipeline reference for scband-token-merging-66288525247267 (READ-ONLY COPY).

The authoritative reference and input builder live on the scoring server;
editing this copy changes nothing except your own understanding.
"""

import jax, jax.numpy as jnp
import numpy as np

R = 512

def setup_inputs(seed: int = 0) -> dict:
    key = jax.random.key(seed)
    x = jax.random.normal(key, (4, 2048, 1024), dtype=jnp.float32)
    return {"x": x}

def reference(x):
    r = min(R, x.shape[1] // 2)
    if r <= 0:
        return x
    a = x[:, ::2, :]
    b = x[:, 1::2, :]
    n, t1, c = a.shape
    # similarity scores between even (a) and odd (b) tokens
    scores = jnp.einsum('btd,bsd->bts', a, b)
    node_max = jnp.max(scores, axis=-1)
    node_idx = jnp.argmax(scores, axis=-1)
    # sort edges by similarity, descending (top-r get merged)
    edge_idx = jnp.argsort(-node_max, axis=-1)
    unm_idx = edge_idx[:, r:]
    src_idx = edge_idx[:, :r]
    dst_idx = jnp.take_along_axis(node_idx, src_idx, axis=-1)
    unm = jnp.take_along_axis(a, jnp.broadcast_to(unm_idx[:, :, None], (n, t1 - r, c)), axis=1)
    a_src = jnp.take_along_axis(a, jnp.broadcast_to(src_idx[:, :, None], (n, r, c)), axis=1)
    # torch scatter_reduce(reduce='mean', include_self=True): mean over existing b value and all scattered src values
    def scatter_mean(bb, dst, src):
        sums = bb.at[dst].add(src)
        counts = jnp.ones((bb.shape[0],), dtype=bb.dtype).at[dst].add(1.0)
        return sums / counts[:, None]
    b_new = jax.vmap(scatter_mean)(b, dst_idx, a_src)
    return jnp.concatenate([unm, b_new], axis=1)

if __name__ == "__main__":
    import jax
    _d = setup_inputs()
    print(jax.jit(kernel)(*tuple(_d.values())))

</pallas_src>

<mosaic_0001>
#map = affine_map<(d0, d1) -> (0, 0)>
#map1 = affine_map<(d0, d1) -> (0)>
module attributes {stable_mosaic.version = 14 : i64} {
  func.func @new_body(%arg0: i32, %arg1: i32, %arg2: memref<8192x1024xf32, #tpu.memory_space<hbm>>, %arg3: memref<2048xi32, #tpu.memory_space<hbm>>, %arg4: memref<6144x1024xf32, #tpu.memory_space<hbm>>, %arg5: memref<6144x1024xf32, #tpu.memory_space<hbm>>, %arg6: memref<64x1024xf32, #tpu.memory_space<vmem>>, %arg7: memref<64xi32, #tpu.memory_space<vmem>>, %arg8: memref<!tpu.dma_semaphore, #tpu.memory_space<semaphore_mem>>) attributes {dimension_semantics = [#tpu.dimension_semantics<core_parallel>, #tpu.dimension_semantics<subcore_parallel>], iteration_bounds = array<i64: 2, 16>, scalar_prefetch = 0 : i64, scratch_operands = 3 : i64, tpu.core_type = #tpu.core_type<sc_vector_subcore>, window_params = [{transform_indices = #map}, {transform_indices = #map1}, {transform_indices = #map}, {transform_indices = #map}]} {
    %mul3A = arith.constant 2 : i32
    %mul3A_0 = arith.muli %arg1, %mul3A : i32
    %add3A = arith.addi %mul3A_0, %arg0 : i32
    %mul3A_1 = arith.constant 64 : i32
    %mul3A_2 = arith.muli %add3A, %mul3A_1 : i32
    %jit3A = arith.constant 8 : i32
    %div3A = arith.divsi %add3A, %jit3A : i32
    %sign3A = arith.constant 0 : i32
    %sign3A_3 = arith.cmpi sgt, %add3A, %sign3A : i32
    %sign3A_4 = arith.extui %sign3A_3 : i1 to i32
    %sign3A_5 = arith.constant 0 : i32
    %sign3A_6 = arith.cmpi slt, %add3A, %sign3A_5 : i32
    %sign3A_7 = arith.extui %sign3A_6 : i1 to i32
    %sign3A_8 = arith.subi %sign3A_4, %sign3A_7 : i32
    %sign3A_9 = arith.constant 0 : i32
    %sign3A_10 = arith.cmpi sgt, %jit3A, %sign3A_9 : i32
    %sign3A_11 = arith.extui %sign3A_10 : i1 to i32
    %sign3A_12 = arith.constant 0 : i32
    %sign3A_13 = arith.cmpi slt, %jit3A, %sign3A_12 : i32
    %sign3A_14 = arith.extui %sign3A_13 : i1 to i32
    %sign3A_15 = arith.subi %sign3A_11, %sign3A_14 : i32
    %ne3A = arith.cmpi ne, %sign3A_8, %sign3A_15 : i32
    %rem3A = arith.remsi %add3A, %jit3A : i32
    %ne3A_16 = arith.constant 0 : i32
    %ne3A_17 = arith.cmpi ne, %rem3A, %ne3A_16 : i32
    %and3A = arith.andi %ne3A, %ne3A_17 : i1
    %sub3A = arith.constant 1 : i32
    %sub3A_18 = arith.subi %div3A, %sub3A : i32
    %select_n3A = arith.select %and3A, %sub3A_18, %div3A : i32
    %jit3A_19 = arith.constant 8 : i32
    %eq3A = arith.constant 0 : i32
    %eq3A_20 = arith.cmpi eq, %jit3A_19, %eq3A : i32
    %jit3A_21 = arith.constant 1 : i32
    %select_n3A_22 = arith.select %eq3A_20, %jit3A_21, %jit3A_19 : i32
    %rem3A_23 = arith.remsi %add3A, %select_n3A_22 : i32
    %ne3A_24 = arith.constant 0 : i32
    %ne3A_25 = arith.cmpi ne, %rem3A_23, %ne3A_24 : i32
    %lt3A = arith.constant 0 : i32
    %lt3A_26 = arith.cmpi slt, %rem3A_23, %lt3A : i32
    %lt3A_27 = arith.constant 0 : i32
    %lt3A_28 = arith.cmpi slt, %select_n3A_22, %lt3A_27 : i32
    %ne3A_29 = arith.xori %lt3A_26, %lt3A_28 : i1
    %and3A_30 = arith.andi %ne3A_29, %ne3A_25 : i1
    %add3A_31 = arith.addi %rem3A_23, %select_n3A_22 : i32
    %select_n3A_32 = arith.select %and3A_30, %add3A_31, %rem3A_23 : i32
    %mul3A_33 = arith.constant 64 : i32
    %mul3A_34 = arith.muli %select_n3A_32, %mul3A_33 : i32
    "tpu.region"() ({
      %run_scoped3A = tpu.sem_alloc : memref<!tpu.dma_semaphore, #tpu.memory_space<semaphore_mem>>
      %dma_start3A_42 = tpu.memref_slice %arg3[%mul3A_2] : memref<2048xi32, #tpu.memory_space<hbm>> -> memref<64xi32, #tpu.memory_space<hbm>>
      %dma_start3A_43 = tpu.memref_slice %arg3[%mul3A_2] : memref<2048xi32, #tpu.memory_space<hbm>> -> memref<64xi32, #tpu.memory_space<hbm>>
      tpu.enqueue_dma source(%dma_start3A_43 : memref<64xi32, #tpu.memory_space<hbm>>) target(%arg7 : memref<64xi32, #tpu.memory_space<vmem>>) target_semaphore(%run_scoped3A : memref<!tpu.dma_semaphore, #tpu.memory_space<semaphore_mem>>)
      %dma_wait3A_44 = tpu.memref_slice %arg3[%mul3A_2] : memref<2048xi32, #tpu.memory_space<hbm>> -> memref<64xi32, #tpu.memory_space<hbm>>
      %dma_wait3A_45 = tpu.memref_slice %arg3[%mul3A_2] : memref<2048xi32, #tpu.memory_space<hbm>> -> memref<64xi32, #tpu.memory_space<hbm>>
      tpu.wait_dma2 semaphore(%run_scoped3A : memref<!tpu.dma_semaphore, #tpu.memory_space<semaphore_mem>>) src(%dma_wait3A_45 : memref<64xi32, #tpu.memory_space<hbm>>) dst(%arg7 : memref<64xi32, #tpu.memory_space<vmem>>)
      tpu.yield
    }) : () -> ()
    %dma_start3A = arith.constant 0 : i32
    %dma_start3A_35 = arith.constant 0 : i32
    %dma_start3A_36 = tpu.memref_slice %arg2[%dma_start3A, %dma_start3A_35] : memref<8192x1024xf32, #tpu.memory_space<hbm>> -> memref<8192x1024xf32, #tpu.memory_space<hbm>>
    tpu.enqueue_indirect_dma source(%dma_start3A_36 : memref<8192x1024xf32, #tpu.memory_space<hbm>>) target(%arg6 : memref<64x1024xf32, #tpu.memory_space<vmem>>) offsets(%arg7 : memref<64xi32, #tpu.memory_space<vmem>>) semaphore(%arg8 : memref<!tpu.dma_semaphore, #tpu.memory_space<semaphore_mem>>)
    %dma_wait3A = arith.constant 0 : i32
    %dma_wait3A_37 = arith.constant 0 : i32
    %dma_wait3A_38 = tpu.memref_slice %arg2[%dma_wait3A, %dma_wait3A_37] : memref<8192x1024xf32, #tpu.memory_space<hbm>> -> memref<8192x1024xf32, #tpu.memory_space<hbm>>
    tpu.wait_indirect_dma semaphore(%arg8 : memref<!tpu.dma_semaphore, #tpu.memory_space<semaphore_mem>>) src(%dma_wait3A_38 : memref<8192x1024xf32, #tpu.memory_space<hbm>>) dst(%arg6 : memref<64x1024xf32, #tpu.memory_space<vmem>>)
    %mul3A_39 = arith.constant 1536 : i32
    %mul3A_40 = arith.muli %select_n3A, %mul3A_39 : i32
    %add3A_41 = arith.addi %mul3A_40, %mul3A_34 : i32
    "tpu.region"() ({
      %run_scoped3A = tpu.sem_alloc : memref<!tpu.dma_semaphore, #tpu.memory_space<semaphore_mem>>
      %dma_start3A_42 = arith.constant 0 : i32
      %dma_start3A_43 = tpu.memref_slice %arg4[%add3A_41, %dma_start3A_42] : memref<6144x1024xf32, #tpu.memory_space<hbm>> -> memref<64x1024xf32, #tpu.memory_space<hbm>>
      %dma_start3A_44 = arith.constant 0 : i32
      %dma_start3A_45 = tpu.memref_slice %arg4[%add3A_41, %dma_start3A_44] : memref<6144x1024xf32, #tpu.memory_space<hbm>> -> memref<64x1024xf32, #tpu.memory_space<hbm>>
      tpu.enqueue_dma source(%arg6 : memref<64x1024xf32, #tpu.memory_space<vmem>>) target(%dma_start3A_45 : memref<64x1024xf32, #tpu.memory_space<hbm>>) target_semaphore(%run_scoped3A : memref<!tpu.dma_semaphore, #tpu.memory_space<semaphore_mem>>)
      %dma_wait3A_46 = arith.constant 0 : i32
      %dma_wait3A_47 = tpu.memref_slice %arg4[%add3A_41, %dma_wait3A_46] : memref<6144x1024xf32, #tpu.memory_space<hbm>> -> memref<64x1024xf32, #tpu.memory_space<hbm>>
      %dma_wait3A_48 = arith.constant 0 : i32
      %dma_wait3A_49 = tpu.memref_slice %arg4[%add3A_41, %dma_wait3A_48] : memref<6144x1024xf32, #tpu.memory_space<hbm>> -> memref<64x1024xf32, #tpu.memory_space<hbm>>
      tpu.wait_dma2 semaphore(%run_scoped3A : memref<!tpu.dma_semaphore, #tpu.memory_space<semaphore_mem>>) src(%arg6 : memref<64x1024xf32, #tpu.memory_space<vmem>>) dst(%dma_wait3A_49 : memref<64x1024xf32, #tpu.memory_space<hbm>>)
      tpu.yield
    }) : () -> ()
    return
  }
}

module attributes {stable_mosaic.version = 14 : i64} {
  func.func @_prep_body(%arg0: memref<4x1024x2048xf32, #tpu.memory_space<any>>, %arg1: memref<6144x1024xf32, #tpu.memory_space<any>>, %arg2: memref<4x1x1024xi32, #tpu.memory_space<any>>, %arg3: memref<1024x2048xf32, #tpu.memory_space<vmem>>, %arg4: memref<1024x2048xf32, #tpu.memory_space<vmem>>, %arg5: memref<1024x1024xf32, #tpu.memory_space<vmem>>, %arg6: memref<1024x1024xf32, #tpu.memory_space<vmem>>, %arg7: memref<1x1024xi32, #tpu.memory_space<vmem>>, %arg8: memref<1x1024xi32, #tpu.memory_space<vmem>>, %arg9: memref<!tpu.dma_semaphore, #tpu.memory_space<semaphore_mem>>, %arg10: memref<!tpu.dma_semaphore, #tpu.memory_space<semaphore_mem>>, %arg11: memref<!tpu.dma_semaphore, #tpu.memory_space<semaphore_mem>>, %arg12: memref<!tpu.dma_semaphore, #tpu.memory_space<semaphore_mem>>, %arg13: memref<!tpu.dma_semaphore, #tpu.memory_space<semaphore_mem>>, %arg14: memref<!tpu.dma_semaphore, #tpu.memory_space<semaphore_mem>>) attributes {dimension_semantics = [], scalar_prefetch = 0 : i64, scratch_operands = 12 : i64, tpu.core_type = #tpu.core_type<tc>} {
    %dma_start3A = arith.constant 0 : i32
    %dma_start3A_0 = arith.constant 0 : i32
    %dma_start3A_1 = arith.constant 0 : i32
    %dma_start3A_2 = tpu.memref_slice %arg3[%dma_start3A_0, %dma_start3A_1] : memref<1024x2048xf32, #tpu.memory_space<vmem>> -> memref<128x2048xf32, #tpu.memory_space<vmem>>
    %dma_start3A_3 = arith.constant 0 : i32
    %dma_start3A_4 = arith.constant 0 : i32
    %dma_start3A_5 = tpu.memref_slice %arg0[%dma_start3A, %dma_start3A_3, %dma_start3A_4] : memref<4x1024x2048xf32, #tpu.memory_space<any>> -> memref<1x128x2048xf32, #tpu.memory_space<any>>
    %dma_start3A_6 = tpu.memref_squeeze %dma_start3A_5 : memref<1x128x2048xf32, #tpu.memory_space<any>> -> memref<128x2048xf32, #tpu.memory_space<any>>
    tpu.enqueue_dma source(%dma_start3A_6 : memref<128x2048xf32, #tpu.memory_space<any>>) target(%dma_start3A_2 : memref<128x2048xf32, #tpu.memory_space<vmem>>) target_semaphore(%arg9 : memref<!tpu.dma_semaphore, #tpu.memory_space<semaphore_mem>>)
    %dma_start3A_7 = arith.constant 0 : i32
    %dma_start3A_8 = arith.constant 128 : i32
    %dma_start3A_9 = arith.constant 0 : i32
    %dma_start3A_10 = tpu.memref_slice %arg3[%dma_start3A_8, %dma_start3A_9] : memref<1024x2048xf32, #tpu.memory_space<vmem>> -> memref<128x2048xf32, #tpu.memory_space<vmem>>
    %dma_start3A_11 = arith.constant 128 : i32
    %dma_start3A_12 = arith.constant 0 : i32
    %dma_start3A_13 = tpu.memref_slice %arg0[%dma_start3A_7, %dma_start3A_11, %dma_start3A_12] : memref<4x1024x2048xf32, #tpu.memory_space<any>> -> memref<1x128x2048xf32, #tpu.memory_space<any>>
    %dma_start3A_14 = tpu.memref_squeeze %dma_start3A_13 : memref<1x128x2048xf32, #tpu.memory_space<any>> -> memref<128x2048xf32, #tpu.memory_space<any>>
    tpu.enqueue_dma source(%dma_start3A_14 : memref<128x2048xf32, #tpu.memory_space<any>>) target(%dma_start3A_10 : memref<128x2048xf32, #tpu.memory_space<vmem>>) target_semaphore(%arg9 : memref<!tpu.dma_semaphore, #tpu.memory_space<semaphore_mem>>)
    %dma_start3A_15 = arith.constant 0 : i32
    %dma_start3A_16 = arith.constant 256 : i32
    %dma_start3A_17 = arith.constant 0 : i32
    %dma_start3A_18 = tpu.memref_slice %arg3[%dma_start3A_16, %dma_start3A_17] : memref<1024x2048xf32, #tpu.memory_space<vmem>> -> memref<128x2048xf32, #tpu.memory_space<vmem>>
    %dma_start3A_19 = arith.constant 256 : i32
    %dma_start3A_20 = arith.constant 0 : i32
    %dma_start3A_21 = tpu.memref_slice %arg0[%dma_start3A_15, %dma_start3A_19, %dma_start3A_20] : memref<4x1024x2048xf32, #tpu.memory_space<any>> -> memref<1x128x2048xf32, #tpu.memory_space<any>>
    %dma_start3A_22 = tpu.memref_squeeze %dma_start3A_21 : memref<1x128x2048xf32, #tpu.memory_space<any>> -> memref<128x2048xf32, #tpu.memory_space<any>>
    tpu.enqueue_dma source(%dma_start3A_22 : memref<128x2048xf32, #tpu.memory_space<any>>) target(%dma_start3A_18 : memref<128x2048xf32, #tpu.memory_space<vmem>>) target_semaphore(%arg9 : memref<!tpu.dma_semaphore, #tpu.memory_space<semaphore_mem>>)
    %dma_start3A_23 = arith.constant 0 : i32
    %dma_start3A_24 = arith.constant 384 : i32
    %dma_start3A_25 = arith.constant 0 : i32
    %dma_start3A_26 = tpu.memref_slice %arg3[%dma_start3A_24, %dma_start3A_25] : memref<1024x2048xf32, #tpu.memory_space<vmem>> -> memref<128x2048xf32, #tpu.memory_space<vmem>>
    %dma_start3A_27 = arith.constant 384 : i32
    %dma_start3A_28 = arith.constant 0 : i32
    %dma_start3A_29 = tpu.memref_slice %arg0[%dma_start3A_23, %dma_start3A_27, %dma_start3A_28] : memref<4x1024x2048xf32, #tpu.memory_space<any>> -> memref<1x128x2048xf32, #tpu.memory_space<any>>
    %dma_start3A_30 = tpu.memref_squeeze %dma_start3A_29 : memref<1x128x2048xf32, #tpu.memory_space<any>> -> memref<128x2048xf32, #tpu.memory_space<any>>
    tpu.enqueue_dma source(%dma_start3A_30 : memref<128x2048xf32, #tpu.memory_space<any>>) target(%dma_start3A_26 : memref<128x2048xf32, #tpu.memory_space<vmem>>) target_semaphore(%arg9 : memref<!tpu.dma_semaphore, #tpu.memory_space<semaphore_mem>>)
    %dma_start3A_31 = arith.constant 0 : i32
    %dma_start3A_32 = arith.constant 512 : i32
    %dma_start3A_33 = arith.constant 0 : i32
    %dma_start3A_34 = tpu.memref_slice %arg3[%dma_start3A_32, %dma_start3A_33] : memref<1024x2048xf32, #tpu.memory_space<vmem>> -> memref<128x2048xf32, #tpu.memory_space<vmem>>
    %dma_start3A_35 = arith.constant 512 : i32
    %dma_start3A_36 = arith.constant 0 : i32
    %dma_start3A_37 = tpu.memref_slice %arg0[%dma_start3A_31, %dma_start3A_35, %dma_start3A_36] : memref<4x1024x2048xf32, #tpu.memory_space<any>> -> memref<1x128x2048xf32, #tpu.memory_space<any>>
    %dma_start3A_38 = tpu.memref_squeeze %dma_start3A_37 : memref<1x128x2048xf32, #tpu.memory_space<any>> -> memref<128x2048xf32, #tpu.memory_space<any>>
    tpu.enqueue_dma source(%dma_start3A_38 : memref<128x2048xf32, #tpu.memory_space<any>>) target(%dma_start3A_34 : memref<128x2048xf32, #tpu.memory_space<vmem>>) target_semaphore(%arg9 : memref<!tpu.dma_semaphore, #tpu.memory_space<semaphore_mem>>)
    %dma_start3A_39 = arith.constant 0 : i32
    %dma_start3A_40 = arith.constant 640 : i32
    %dma_start3A_41 = arith.constant 0 : i32
    %dma_start3A_42 = tpu.memref_slice %arg3[%dma_start3A_40, %dma_start3A_41] : memref<1024x2048xf32, #tpu.memory_space<vmem>> -> memref<128x2048xf32, #tpu.memory_space<vmem>>
    %dma_start3A_43 = arith.constant 640 : i32
    %dma_start3A_44 = arith.constant 0 : i32
    %dma_start3A_45 = tpu.memref_slice %arg0[%dma_start3A_39, %dma_start3A_43, %dma_start3A_44] : memref<4x1024x2048xf32, #tpu.memory_space<any>> -> memref<1x128x2048xf32, #tpu.memory_space<any>>
    %dma_start3A_46 = tpu.memref_squeeze %dma_start3A_45 : memref<1x128x2048xf32, #tpu.memory_space<any>> -> memref<128x2048xf32, #tpu.memory_space<any>>
    tpu.enqueue_dma source(%dma_start3A_46 : memref<128x2048xf32, #tpu.memory_space<any>>) target(%dma_start3A_42 : memref<128x2048xf32, #tpu.memory_space<vmem>>) target_semaphore(%arg9 : memref<!tpu.dma_semaphore, #tpu.memory_space<semaphore_mem>>)
    %dma_start3A_47 = arith.constant 0 : i32
    %dma_start3A_48 = arith.constant 768 : i32
    %dma_start3A_49 = arith.constant 0 : i32
    %dma_start3A_50 = tpu.memref_slice %arg3[%dma_start3A_48, %dma_start3A_49] : memref<1024x2048xf32, #tpu.memory_space<vmem>> -> memref<128x2048xf32, #tpu.memory_space<vmem>>
    %dma_start3A_51 = arith.constant 768 : i32
    %dma_start3A_52 = arith.constant 0 : i32
    %dma_start3A_53 = tpu.memref_slice %arg0[%dma_start3A_47, %dma_start3A_51, %dma_start3A_52] : memref<4x1024x2048xf32, #tpu.memory_space<any>> -> memref<1x128x2048xf32, #tpu.memory_space<any>>
    %dma_start3A_54 = tpu.memref_squeeze %dma_start3A_53 : memref<1x128x2048xf32, #tpu.memory_space<any>> -> memref<128x2048xf32, #tpu.memory_space<any>>
    tpu.enqueue_dma source(%dma_start3A_54 : memref<128x2048xf32, #tpu.memory_space<any>>) target(%dma_start3A_50 : memref<128x2048xf32, #tpu.memory_space<vmem>>) target_semaphore(%arg9 : memref<!tpu.dma_semaphore, #tpu.memory_space<semaphore_mem>>)
    %dma_start3A_55 = arith.constant 0 : i32
    %dma_start3A_56 = arith.constant 896 : i32
    %dma_start3A_57 = arith.constant 0 : i32
    %dma_start3A_58 = tpu.memref_slice %arg3[%dma_start3A_56, %dma_start3A_57] : memref<1024x2048xf32, #tpu.memory_space<vmem>> -> memref<128x2048xf32, #tpu.memory_space<vmem>>
    %dma_start3A_59 = arith.constant 896 : i32
    %dma_start3A_60 = arith.constant 0 : i32
    %dma_start3A_61 = tpu.memref_slice %arg0[%dma_start3A_55, %dma_start3A_59, %dma_start3A_60] : memref<4x1024x2048xf32, #tpu.memory_space<any>> -> memref<1x128x2048xf32, #tpu.memory_space<any>>
    %dma_start3A_62 = tpu.memref_squeeze %dma_start3A_61 : memref<1x128x2048xf32, #tpu.memory_space<any>> -> memref<128x2048xf32, #tpu.memory_space<any>>
    tpu.enqueue_dma source(%dma_start3A_62 : memref<128x2048xf32, #tpu.memory_space<any>>) target(%dma_start3A_58 : memref<128x2048xf32, #tpu.memory_space<vmem>>) target_semaphore(%arg9 : memref<!tpu.dma_semaphore, #tpu.memory_space<semaphore_mem>>)
    %dma_start3A_63 = arith.constant 1 : i32
    %dma_start3A_64 = arith.constant 0 : i32
    %dma_start3A_65 = arith.constant 0 : i32
    %dma_start3A_66 = tpu.memref_slice %arg4[%dma_start3A_64, %dma_start3A_65] : memref<1024x2048xf32, #tpu.memory_space<vmem>> -> memref<128x2048xf32, #tpu.memory_space<vmem>>
    %dma_start3A_67 = arith.constant 0 : i32
    %dma_start3A_68 = arith.constant 0 : i32
    %dma_start3A_69 = tpu.memref_slice %arg0[%dma_start3A_63, %dma_start3A_67, %dma_start3A_68] : memref<4x1024x2048xf32, #tpu.memory_space<any>> -> memref<1x128x2048xf32, #tpu.memory_space<any>>
    %dma_start3A_70 = tpu.memref_squeeze %dma_start3A_69 : memref<1x128x2048xf32, #tpu.memory_space<any>> -> memref<128x2048xf32, #tpu.memory_space<any>>
    tpu.enqueue_dma source(%dma_start3A_70 : memref<128x2048xf32, #tpu.memory_space<any>>) target(%dma_start3A_66 : memref<128x2048xf32, #tpu.memory_space<vmem>>) target_semaphore(%arg10 : memref<!tpu.dma_semaphore, #tpu.memory_space<semaphore_mem>>)
    %dma_start3A_71 = arith.constant 1 : i32
    %dma_start3A_72 = arith.constant 128 : i32
    %dma_start3A_73 = arith.constant 0 : i32
    %dma_start3A_74 = tpu.memref_slice %arg4[%dma_start3A_72, %dma_start3A_73] : memref<1024x2048xf32, #tpu.memory_space<vmem>> -> memref<128x2048xf32, #tpu.memory_space<vmem>>
    %dma_start3A_75 = arith.constant 128 : i32
    %dma_start3A_76 = arith.constant 0 : i32
    %dma_start3A_77 = tpu.memref_slice %arg0[%dma_start3A_71, %dma_start3A_75, %dma_start3A_76] : memref<4x1024x2048xf32, #tpu.memory_space<any>> -> memref<1x128x2048xf32, #tpu.memory_space<any>>
    %dma_start3A_78 = tpu.memref_squeeze %dma_start3A_77 : memref<1x128x2048xf32, #tpu.memory_space<any>> -> memref<128x2048xf32, #tpu.memory_space<any>>
    tpu.enqueue_dma source(%dma_start3A_78 : memref<128x2048xf32, #tpu.memory_space<any>>) target(%dma_start3A_74 : memref<128x2048xf32, #tpu.memory_space<vmem>>) target_semaphore(%arg10 : memref<!tpu.dma_semaphore, #tpu.memory_space<semaphore_mem>>)
    %dma_start3A_79 = arith.constant 1 : i32
    %dma_start3A_80 = arith.constant 256 : i32
    %dma_start3A_81 = arith.constant 0 : i32
    %dma_start3A_82 = tpu.memref_slice %arg4[%dma_start3A_80, %dma_start3A_81] : memref<1024x2048xf32, #tpu.memory_space<vmem>> -> memref<128x2048xf32, #tpu.memory_space<vmem>>
    %dma_start3A_83 = arith.constant 256 : i32
    %dma_start3A_84 = arith.constant 0 : i32
    %dma_start3A_85 = tpu.memref_slice %arg0[%dma_start3A_79, %dma_start3A_83, %dma_start3A_84] : memref<4x1024x2048xf32, #tpu.memory_space<any>> -> memref<1x128x2048xf32, #tpu.memory_space<any>>
    %dma_start3A_86 = tpu.memref_squeeze %dma_start3A_85 : memref<1x128x2048xf32, #tpu.memory_space<any>> -> memref<128x2048xf32, #tpu.memory_space<any>>
    tpu.enqueue_dma source(%dma_start3A_86 : memref<128x2048xf32, #tpu.memory_space<any>>) target(%dma_start3A_82 : memref<128x2048xf32, #tpu.memory_space<vmem>>) target_semaphore(%arg10 : memref<!tpu.dma_semaphore, #tpu.memory_space<semaphore_mem>>)
    %dma_start3A_87 = arith.constant 1 : i32
    %dma_start3A_88 = arith.constant 384 : i32
    %dma_start3A_89 = arith.constant 0 : i32
    %dma_start3A_90 = tpu.memref_slice %arg4[%dma_start3A_88, %dma_start3A_89] : memref<1024x2048xf32, #tpu.memory_space<vmem>> -> memref<128x2048xf32, #tpu.memory_space<vmem>>
    %dma_start3A_91 = arith.constant 384 : i32
    %dma_start3A_92 = arith.constant 0 : i32
    %dma_start3A_93 = tpu.memref_slice %arg0[%dma_start3A_87, %dma_start3A_91, %dma_start3A_92] : memref<4x1024x2048xf32, #tpu.memory_space<any>> -> memref<1x128x2048xf32, #tpu.memory_space<any>>
    %dma_start3A_94 = tpu.memref_squeeze %dma_start3A_93 : memref<1x128x2048xf32, #tpu.memory_space<any>> -> memref<128x2048xf32, #tpu.memory_space<any>>
    tpu.enqueue_dma source(%dma_start3A_94 : memref<128x2048xf32, #tpu.memory_space<any>>) target(%dma_start3A_90 : memref<128x2048xf32, #tpu.memory_space<vmem>>) target_semaphore(%arg10 : memref<!tpu.dma_semaphore, #tpu.memory_space<semaphore_mem>>)
    %dma_start3A_95 = arith.constant 1 : i32
    %dma_start3A_96 = arith.constant 512 : i32
    %dma_start3A_97 = arith.constant 0 : i32
    %dma_start3A_98 = tpu.memref_slice %arg4[%dma_start3A_96, %dma_start3A_97] : memref<1024x2048xf32, #tpu.memory_space<vmem>> -> memref<128x2048xf32, #tpu.memory_space<vmem>>
    %dma_start3A_99 = arith.constant 512 : i32
    %dma_start3A_100 = arith.constant 0 : i32
    %dma_start3A_101 = tpu.memref_slice %arg0[%dma_start3A_95, %dma_start3A_99, %dma_start3A_100] : memref<4x1024x2048xf32, #tpu.memory_space<any>> -> memref<1x128x2048xf32, #tpu.memory_space<any>>
    %dma_start3A_102 = tpu.memref_squeeze %dma_start3A_101 : memref<1x128x2048xf32, #tpu.memory_space<any>> -> memref<128x2048xf32, #tpu.memory_space<any>>
    tpu.enqueue_dma source(%dma_start3A_102 : memref<128x2048xf32, #tpu.memory_space<any>>) target(%dma_start3A_98 : memref<128x2048xf32, #tpu.memory_space<vmem>>) target_semaphore(%arg10 : memref<!tpu.dma_semaphore, #tpu.memory_space<semaphore_mem>>)
    %dma_start3A_103 = arith.constant 1 : i32
    %dma_start3A_104 = arith.constant 640 : i32
    %dma_start3A_105 = arith.constant 0 : i32
    %dma_start3A_106 = tpu.memref_slice %arg4[%dma_start3A_104, %dma_start3A_105] : memref<1024x2048xf32, #tpu.memory_space<vmem>> -> memref<128x2048xf32, #tpu.memory_space<vmem>>
    %dma_start3A_107 = arith.constant 640 : i32
    %dma_start3A_108 = arith.constant 0 : i32
    %dma_start3A_109 = tpu.memref_slice %arg0[%dma_start3A_103, %dma_start3A_107, %dma_start3A_108] : memref<4x1024x2048xf32, #tpu.memory_space<any>> -> memref<1x128x2048xf32, #tpu.memory_space<any>>
    %dma_start3A_110 = tpu.memref_squeeze %dma_start3A_109 : memref<1x128x2048xf32, #tpu.memory_space<any>> -> memref<128x2048xf32, #tpu.memory_space<any>>
    tpu.enqueue_dma source(%dma_start3A_110 : memref<128x2048xf32, #tpu.memory_space<any>>) target(%dma_start3A_106 : memref<128x2048xf32, #tpu.memory_space<vmem>>) target_semaphore(%arg10 : memref<!tpu.dma_semaphore, #tpu.memory_space<semaphore_mem>>)
    %dma_start3A_111 = arith.constant 1 : i32
    %dma_start3A_112 = arith.constant 768 : i32
    %dma_start3A_113 = arith.constant 0 : i32
    %dma_start3A_114 = tpu.memref_slice %arg4[%dma_start3A_112, %dma_start3A_113] : memref<1024x2048xf32, #tpu.memory_space<vmem>> -> memref<128x2048xf32, #tpu.memory_space<vmem>>
    %dma_start3A_115 = arith.constant 768 : i32
    %dma_start3A_116 = arith.constant 0 : i32
    %dma_start3A_117 = tpu.memref_slice %arg0[%dma_start3A_111, %dma_start3A_115, %dma_start3A_116] : memref<4x1024x2048xf32, #tpu.memory_space<any>> -> memref<1x128x2048xf32, #tpu.memory_space<any>>
    %dma_start3A_118 = tpu.memref_squeeze %dma_start3A_117 : memref<1x128x2048xf32, #tpu.memory_space<any>> -> memref<128x2048xf32, #tpu.memory_space<any>>
    tpu.enqueue_dma source(%dma_start3A_118 : memref<128x2048xf32, #tpu.memory_space<any>>) target(%dma_start3A_114 : memref<128x2048xf32, #tpu.memory_space<vmem>>) target_semaphore(%arg10 : memref<!tpu.dma_semaphore, #tpu.memory_space<semaphore_mem>>)
    %dma_start3A_119 = arith.constant 1 : i32
    %dma_start3A_120 = arith.constant 896 : i32
    %dma_start3A_121 = arith.constant 0 : i32
    %dma_start3A_122 = tpu.memref_slice %arg4[%dma_start3A_120, %dma_start3A_121] : memref<1024x2048xf32, #tpu.memory_space<vmem>> -> memref<128x2048xf32, #tpu.memory_space<vmem>>
    %dma_start3A_123 = arith.constant 896 : i32
    %dma_start3A_124 = arith.constant 0 : i32
    %dma_start3A_125 = tpu.memref_slice %arg0[%dma_start3A_119, %dma_start3A_123, %dma_start3A_124] : memref<4x1024x2048xf32, #tpu.memory_space<any>> -> memref<1x128x2048xf32, #tpu.memory_space<any>>
    %dma_start3A_126 = tpu.memref_squeeze %dma_start3A_125 : memref<1x128x2048xf32, #tpu.memory_space<any>> -> memref<128x2048xf32, #tpu.memory_space<any>>
    tpu.enqueue_dma source(%dma_start3A_126 : memref<128x2048xf32, #tpu.memory_space<any>>) target(%dma_start3A_122 : memref<128x2048xf32, #tpu.memory_space<vmem>>) target_semaphore(%arg10 : memref<!tpu.dma_semaphore, #tpu.memory_space<semaphore_mem>>)
    %dma_wait3A = arith.constant 0 : i32
    %dma_wait3A_127 = arith.constant 0 : i32
    %dma_wait3A_128 = arith.constant 0 : i32
    %dma_wait3A_129 = tpu.memref_slice %arg3[%dma_wait3A_127, %dma_wait3A_128] : memref<1024x2048xf32, #tpu.memory_space<vmem>> -> memref<128x2048xf32, #tpu.memory_space<vmem>>
    %dma_wait3A_130 = arith.constant 0 : i32
    %dma_wait3A_131 = arith.constant 0 : i32
    %dma_wait3A_132 = tpu.memref_slice %arg0[%dma_wait3A, %dma_wait3A_130, %dma_wait3A_131] : memref<4x1024x2048xf32, #tpu.memory_space<any>> -> memref<1x128x2048xf32, #tpu.memory_space<any>>
    %dma_wait3A_133 = tpu.memref_squeeze %dma_wait3A_132 : memref<1x128x2048xf32, #tpu.memory_space<any>> -> memref<128x2048xf32, #tpu.memory_space<any>>
    tpu.wait_dma2 semaphore(%arg9 : memref<!tpu.dma_semaphore, #tpu.memory_space<semaphore_mem>>) src(%dma_wait3A_133 : memref<128x2048xf32, #tpu.memory_space<any>>) dst(%dma_wait3A_129 : memref<128x2048xf32, #tpu.memory_space<vmem>>)
    %dma_wait3A_134 = arith.constant 0 : i32
    %dma_wait3A_135 = arith.constant 128 : i32
    %dma_wait3A_136 = arith.constant 0 : i32
    %dma_wait3A_137 = tpu.memref_slice %arg3[%dma_wait3A_135, %dma_wait3A_136] : memref<1024x2048xf32, #tpu.memory_space<vmem>> -> memref<128x2048xf32, #tpu.memory_space<vmem>>
    %dma_wait3A_138 = arith.constant 128 : i32
    %dma_wait3A_139 = arith.constant 0 : i32
    %dma_wait3A_140 = tpu.memref_slice %arg0[%dma_wait3A_134, %dma_wait3A_138, %dma_wait3A_139] : memref<4x1024x2048xf32, #tpu.memory_space<any>> -> memref<1x128x2048xf32, #tpu.memory_space<any>>
    %dma_wait3A_141 = tpu.memref_squeeze %dma_wait3A_140 : memref<1x128x2048xf32, #tpu.memory_space<any>> -> memref<128x2048xf32, #tpu.memory_space<any>>
    tpu.wait_dma2 semaphore(%arg9 : memref<!tpu.dma_semaphore, #tpu.memory_space<semaphore_mem>>) src(%dma_wait3A_141 : memref<128x2048xf32, #tpu.memory_space<any>>) dst(%dma_wait3A_137 : memref<128x2048xf32, #tpu.memory_space<vmem>>)
    %dma_wait3A_142 = arith.constant 0 : i32
    %dma_wait3A_143 = arith.constant 256 : i32
    %dma_wait3A_144 = arith.constant 0 : i32
    %dma_wait3A_145 = tpu.memref_slice %arg3[%dma_wait3A_143, %dma_wait3A_144] : memref<1024x2048xf32, #tpu.memory_space<vmem>> -> memref<128x2048xf32, #tpu.memory_space<vmem>>
    %dma_wait3A_146 = arith.constant 256 : i32
    %dma_wait3A_147 = arith.constant 0 : i32
    %dma_wait3A_148 = tpu.memref_slice %arg0[%dma_wait3A_142, %dma_wait3A_146, %dma_wait3A_147] : memref<4x1024x2048xf32, #tpu.memory_space<any>> -> memref<1x128x2048xf32, #tpu.memory_space<any>>
    %dma_wait3A_149 = tpu.memref_squeeze %dma_wait3A_148 : memref<1x128x2048xf32, #tpu.memory_space<any>> -> memref<128x2048xf32, #tpu.memory_space<any>>
    tpu.wait_dma2 semaphore(%arg9 : memref<!tpu.dma_semaphore, #tpu.memory_space<semaphore_mem>>) src(%dma_wait3A_149 : memref<128x2048xf32, #tpu.memory_space<any>>) dst(%dma_wait3A_145 : memref<128x2048xf32, #tpu.memory_space<vmem>>)
    %dma_wait3A_150 = arith.constant 0 : i32
    %dma_wait3A_151 = arith.constant 384 : i32
    %dma_wait3A_152 = arith.constant 0 : i32
    %dma_wait3A_153 = tpu.memref_slice %arg3[%dma_wait3A_151, %dma_wait3A_152] : memref<1024x2048xf32, #tpu.memory_space<vmem>> -> memref<128x2048xf32, #tpu.memory_space<vmem>>
    %dma_wait3A_154 = arith.constant 384 : i32
    %dma_wait3A_155 = arith.constant 0 : i32
    %dma_wait3A_156 = tpu.memref_slice %arg0[%dma_wait3A_150, %dma_wait3A_154, %dma_wait3A_155] : memref<4x1024x2048xf32, #tpu.memory_space<any>> -> memref<1x128x2048xf32, #tpu.memory_space<any>>
    %dma_wait3A_157 = tpu.memref_squeeze %dma_wait3A_156 : memref<1x128x2048xf32, #tpu.memory_space<any>> -> memref<128x2048xf32, #tpu.memory_space<any>>
    tpu.wait_dma2 semaphore(%arg9 : memref<!tpu.dma_semaphore, #tpu.memory_space<semaphore_mem>>) src(%dma_wait3A_157 : memref<128x2048xf32, #tpu.memory_space<any>>) dst(%dma_wait3A_153 : memref<128x2048xf32, #tpu.memory_space<vmem>>)
    %dma_wait3A_158 = arith.constant 0 : i32
    %dma_wait3A_159 = arith.constant 512 : i32
    %dma_wait3A_160 = arith.constant 0 : i32
    %dma_wait3A_161 = tpu.memref_slice %arg3[%dma_wait3A_159, %dma_wait3A_160] : memref<1024x2048xf32, #tpu.memory_space<vmem>> -> memref<128x2048xf32, #tpu.memory_space<vmem>>
    %dma_wait3A_162 = arith.constant 512 : i32
    %dma_wait3A_163 = arith.constant 0 : i32
    %dma_wait3A_164 = tpu.memref_slice %arg0[%dma_wait3A_158, %dma_wait3A_162, %dma_wait3A_163] : memref<4x1024x2048xf32, #tpu.memory_space<any>> -> memref<1x128x2048xf32, #tpu.memory_space<any>>
    %dma_wait3A_165 = tpu.memref_squeeze %dma_wait3A_164 : memref<1x128x2048xf32, #tpu.memory_space<any>> -> memref<128x2048xf32, #tpu.memory_space<any>>
    tpu.wait_dma2 semaphore(%arg9 : memref<!tpu.dma_semaphore, #tpu.memory_space<semaphore_mem>>) src(%dma_wait3A_165 : memref<128x2048xf32, #tpu.memory_space<any>>) dst(%dma_wait3A_161 : memref<128x2048xf32, #tpu.memory_space<vmem>>)
    %dma_wait3A_166 = arith.constant 0 : i32
    %dma_wait3A_167 = arith.constant 640 : i32
    %dma_wait3A_168 = arith.constant 0 : i32
    %dma_wait3A_169 = tpu.memref_slice %arg3[%dma_wait3A_167, %dma_wait3A_168] : memref<1024x2048xf32, #tpu.memory_space<vmem>> -> memref<128x2048xf32, #tpu.memory_space<vmem>>
    %dma_wait3A_170 = arith.constant 640 : i32
    %dma_wait3A_171 = arith.constant 0 : i32
    %dma_wait3A_172 = tpu.memref_slice %arg0[%dma_wait3A_166, %dma_wait3A_170, %dma_wait3A_171] : memref<4x1024x2048xf32, #tpu.memory_space<any>> -> memref<1x128x2048xf32, #tpu.memory_space<any>>
    %dma_wait3A_173 = tpu.memref_squeeze %dma_wait3A_172 : memref<1x128x2048xf32, #tpu.memory_space<any>> -> memref<128x2048xf32, #tpu.memory_space<any>>
    tpu.wait_dma2 semaphore(%arg9 : memref<!tpu.dma_semaphore, #tpu.memory_space<semaphore_mem>>) src(%dma_wait3A_173 : memref<128x2048xf32, #tpu.memory_space<any>>) dst(%dma_wait3A_169 : memref<128x2048xf32, #tpu.memory_space<vmem>>)
    %dma_wait3A_174 = arith.constant 0 : i32
    %dma_wait3A_175 = arith.constant 768 : i32
    %dma_wait3A_176 = arith.constant 0 : i32
    %dma_wait3A_177 = tpu.memref_slice %arg3[%dma_wait3A_175, %dma_wait3A_176] : memref<1024x2048xf32, #tpu.memory_space<vmem>> -> memref<128x2048xf32, #tpu.memory_space<vmem>>
    %dma_wait3A_178 = arith.constant 768 : i32
    %dma_wait3A_179 = arith.constant 0 : i32
    %dma_wait3A_180 = tpu.memref_slice %arg0[%dma_wait3A_174, %dma_wait3A_178, %dma_wait3A_179] : memref<4x1024x2048xf32, #tpu.memory_space<any>> -> memref<1x128x2048xf32, #tpu.memory_space<any>>
    %dma_wait3A_181 = tpu.memref_squeeze %dma_wait3A_180 : memref<1x128x2048xf32, #tpu.memory_space<any>> -> memref<128x2048xf32, #tpu.memory_space<any>>
    tpu.wait_dma2 semaphore(%arg9 : memref<!tpu.dma_semaphore, #tpu.memory_space<semaphore_mem>>) src(%dma_wait3A_181 : memref<128x2048xf32, #tpu.memory_space<any>>) dst(%dma_wait3A_177 : memref<128x2048xf32, #tpu.memory_space<vmem>>)
    %dma_wait3A_182 = arith.constant 0 : i32
    %dma_wait3A_183 = arith.constant 896 : i32
    %dma_wait3A_184 = arith.constant 0 : i32
    %dma_wait3A_185 = tpu.memref_slice %arg3[%dma_wait3A_183, %dma_wait3A_184] : memref<1024x2048xf32, #tpu.memory_space<vmem>> -> memref<128x2048xf32, #tpu.memory_space<vmem>>
    %dma_wait3A_186 = arith.constant 896 : i32
    %dma_wait3A_187 = arith.constant 0 : i32
    %dma_wait3A_188 = tpu.memref_slice %arg0[%dma_wait3A_182, %dma_wait3A_186, %dma_wait3A_187] : memref<4x1024x2048xf32, #tpu.memory_space<any>> -> memref<1x128x2048xf32, #tpu.memory_space<any>>
    %dma_wait3A_189 = tpu.memref_squeeze %dma_wait3A_188 : memref<1x128x2048xf32, #tpu.memory_space<any>> -> memref<128x2048xf32, #tpu.memory_space<any>>
    tpu.wait_dma2 semaphore(%arg9 : memref<!tpu.dma_semaphore, #tpu.memory_space<semaphore_mem>>) src(%dma_wait3A_189 : memref<128x2048xf32, #tpu.memory_space<any>>) dst(%dma_wait3A_185 : memref<128x2048xf32, #tpu.memory_space<vmem>>)
    %get3A = arith.constant 0 : index
    %get3A_190 = arith.constant 0 : index
    %get3A_191 = vector.load %arg3[%get3A, %get3A_190] : memref<1024x2048xf32, #tpu.memory_space<vmem>>, vector<1024x2048xf32>
    %slice3A = vector.extract_strided_slice %get3A_191 {offsets = [0, 0], sizes = [1024, 1024], strides = [1, 1]} : vector<1024x2048xf32> to vector<1024x1024xf32>
    %slice3A_192 = vector.extract_strided_slice %get3A_191 {offsets = [0, 1024], sizes = [1024, 1024], strides = [1, 1]} : vector<1024x2048xf32> to vector<1024x1024xf32>
    %dot_general3A = arith.constant dense<0.000000e+00> : vector<1024x1024xf32>
    %dot_general3A_193 = tpu.matmul %slice3A, %slice3A_192, %dot_general3A {dimension_numbers = #tpu.dot_dimension_numbers<[1], [1], [0], [0], [0, 0, 1, 0], [], []>, transpose_lhs_hint = false} : vector<1024x1024xf32>, vector<1024x1024xf32>, vector<1024x1024xf32> -> vector<1024x1024xf32>
    %iota3A = tpu.iota {dimensions = array<i32: 1>} : vector<1024x1024xi32>
    %iota3A_194 = tpu.iota {dimensions = array<i32: 0>} : vector<1024x1024xi32>
    %reduce_max3A = arith.constant dense<0xFF800000> : vector<1024xf32>
    %reduce_max3A_195 = vector.multi_reduction <maximumf>, %dot_general3A_193, %reduce_max3A [1] : vector<1024x1024xf32> to vector<1024xf32>
    %broadcast_in_dim3A = vector.shape_cast %reduce_max3A_195 : vector<1024xf32> to vector<1024x1xf32>
    %transpose3A = tpu.transpose %broadcast_in_dim3A, [1, 0] : vector<1024x1xf32> -> vector<1x1024xf32>
    %eq3A = vector.broadcast %broadcast_in_dim3A : vector<1024x1xf32> to vector<1024x1024xf32>
    %eq3A_196 = arith.cmpf oeq, %dot_general3A_193, %eq3A : vector<1024x1024xf32>
    %jit3A = arith.constant 1024 : i32
    %broadcast_in_dim3A_197 = vector.broadcast %jit3A : i32 to vector<1024x1024xi32>
    %select_n3A = arith.select %eq3A_196, %iota3A, %broadcast_in_dim3A_197 : vector<1024x1024xi1>, vector<1024x1024xi32>
    %reduce_min3A = arith.constant dense<2147483647> : vector<1024xi32>
    %reduce_min3A_198 = vector.multi_reduction <minsi>, %select_n3A, %reduce_min3A [1] : vector<1024x1024xi32> to vector<1024xi32>
    %broadcast_in_dim3A_199 = vector.shape_cast %reduce_min3A_198 : vector<1024xi32> to vector<1024x1xi32>
    %transpose3A_200 = tpu.transpose %broadcast_in_dim3A_199, [1, 0] : vector<1024x1xi32> -> vector<1x1024xi32>
    %gt3A = vector.broadcast %transpose3A : vector<1x1024xf32> to vector<1024x1024xf32>
    %gt3A_201 = vector.broadcast %broadcast_in_dim3A : vector<1024x1xf32> to vector<1024x1024xf32>
    %gt3A_202 = arith.cmpf ogt, %gt3A, %gt3A_201 : vector<1024x1024xf32>
    %eq3A_203 = vector.broadcast %transpose3A : vector<1x1024xf32> to vector<1024x1024xf32>
    %eq3A_204 = vector.broadcast %broadcast_in_dim3A : vector<1024x1xf32> to vector<1024x1024xf32>
    %eq3A_205 = arith.cmpf oeq, %eq3A_203, %eq3A_204 : vector<1024x1024xf32>
    %lt3A = arith.cmpi slt, %iota3A, %iota3A_194 : vector<1024x1024xi32>
    %and3A = arith.andi %eq3A_205, %lt3A : vector<1024x1024xi1>
    %or3A = arith.ori %gt3A_202, %and3A : vector<1024x1024xi1>
    %convert_element_type3A = arith.extui %or3A : vector<1024x1024xi1> to vector<1024x1024xi32>
    %reduce_sum3A = arith.constant dense<0> : vector<1024xi32>
    %reduce_sum3A_206 = vector.multi_reduction <add>, %convert_element_type3A, %reduce_sum3A [1] : vector<1024x1024xi32> to vector<1024xi32>
    %broadcast_in_dim3A_207 = vector.shape_cast %reduce_sum3A_206 : vector<1024xi32> to vector<1024x1xi32>
    %transpose3A_208 = tpu.transpose %broadcast_in_dim3A_207, [1, 0] : vector<1024x1xi32> -> vector<1x1024xi32>
    %lt3A_209 = arith.constant 512 : i32
    %lt3A_210 = vector.broadcast %lt3A_209 : i32 to vector<1x1024xi32>
    %lt3A_211 = arith.cmpi slt, %transpose3A_208, %lt3A_210 : vector<1x1024xi32>
    %eq3A_212 = vector.broadcast %transpose3A_200 : vector<1x1024xi32> to vector<1024x1024xi32>
    %eq3A_213 = arith.cmpi eq, %eq3A_212, %iota3A_194 : vector<1024x1024xi32>
    %and3A_214 = vector.broadcast %lt3A_211 : vector<1x1024xi1> to vector<1024x1024xi1>
    %and3A_215 = arith.andi %eq3A_213, %and3A_214 : vector<1024x1024xi1>
    %convert_element_type3A_216 = arith.extui %and3A_215 : vector<1024x1024xi1> to vector<1024x1024xi32>
    %convert_element_type3A_217 = arith.sitofp %convert_element_type3A_216 : vector<1024x1024xi32> to vector<1024x1024xf32>
    %convert_element_type3A_218 = arith.truncf %convert_element_type3A_217 : vector<1024x1024xf32> to vector<1024x1024xbf16>
    %convert_element_type3A_219 = arith.truncf %slice3A : vector<1024x1024xf32> to vector<1024x1024xbf16>
    %dot_general3A_220 = arith.constant dense<0.000000e+00> : vector<1024x1024xf32>
    %dot_general3A_221 = tpu.matmul %convert_element_type3A_218, %convert_element_type3A_219, %dot_general3A_220 {dimension_numbers = #tpu.dot_dimension_numbers<[1], [0], [0], [1], [0, 0, 1, 1], [], []>, transpose_lhs_hint = false} : vector<1024x1024xbf16>, vector<1024x1024xbf16>, vector<1024x1024xf32> -> vector<1024x1024xf32>
    %reduce_sum3A_222 = arith.constant dense<0.000000e+00> : vector<1024xf32>
    %reduce_sum3A_223 = vector.multi_reduction <add>, %convert_element_type3A_217, %reduce_sum3A_222 [1] : vector<1024x1024xf32> to vector<1024xf32>
    %broadcast_in_dim3A_224 = vector.shape_cast %reduce_sum3A_223 : vector<1024xf32> to vector<1024x1xf32>
    %add3A = arith.constant 1.000000e+00 : f32
    %add3A_225 = vector.broadcast %add3A : f32 to vector<1024x1xf32>
    %add3A_226 = arith.addf %add3A_225, %broadcast_in_dim3A_224 : vector<1024x1xf32>
    %add3A_227 = arith.addf %slice3A_192, %dot_general3A_221 : vector<1024x1024xf32>
    %div3A = arith.constant 1.000000e+00 : f32
    %div3A_228 = vector.broadcast %div3A : f32 to vector<1024x1xf32>
    %div3A_229 = arith.divf %div3A_228, %add3A_226 : vector<1024x1xf32>
    %mul3A = vector.broadcast %div3A_229 : vector<1024x1xf32> to vector<1024x1024xf32>
    %mul3A_230 = arith.mulf %add3A_227, %mul3A : vector<1024x1024xf32>
    %swap3A = arith.constant 0 : index
    %swap3A_231 = arith.constant 0 : index
    %swap3A_232 = vector.load %arg5[%swap3A, %swap3A_231] : memref<1024x1024xf32, #tpu.memory_space<vmem>>, vector<1024x1024xf32>
    tpu.vector_store %arg5[%swap3A, %swap3A_231], %mul3A_230 {strides = array<i32>} : memref<1024x1024xf32, #tpu.memory_space<vmem>>, vector<1024x1024xf32>,
    %eq3A_233 = vector.broadcast %broadcast_in_dim3A_207 : vector<1024x1xi32> to vector<1024x1024xi32>
    %eq3A_234 = arith.cmpi eq, %eq3A_233, %iota3A : vector<1024x1024xi32>
    %jit3A_235 = arith.constant 0 : i32
    %broadcast_in_dim3A_236 = vector.broadcast %jit3A_235 : i32 to vector<1024x1024xi32>
    %select_n3A_237 = arith.select %eq3A_234, %iota3A_194, %broadcast_in_dim3A_236 : vector<1024x1024xi1>, vector<1024x1024xi32>
    %reduce_sum3A_238 = arith.constant dense<0> : vector<1024xi32>
    %reduce_sum3A_239 = vector.multi_reduction <add>, %select_n3A_237, %reduce_sum3A_238 [0] : vector<1024x1024xi32> to vector<1024xi32>
    %broadcast_in_dim3A_240 = vector.shape_cast %reduce_sum3A_239 : vector<1024xi32> to vector<1x1024xi32>
    %mul3A_241 = arith.constant 2 : i32
    %mul3A_242 = vector.broadcast %mul3A_241 : i32 to vector<1x1024xi32>
    %mul3A_243 = arith.muli %mul3A_242, %broadcast_in_dim3A_240 : vector<1x1024xi32>
    %add3A_244 = arith.constant 0 : i32
    %add3A_245 = vector.broadcast %add3A_244 : i32 to vector<1x1024xi32>
    %add3A_246 = arith.addi %add3A_245, %mul3A_243 : vector<1x1024xi32>
    %swap3A_247 = arith.constant 0 : index
    %swap3A_248 = arith.constant 0 : index
    %swap3A_249 = vector.load %arg7[%swap3A_247, %swap3A_248] : memref<1x1024xi32, #tpu.memory_space<vmem>>, vector<1x1024xi32>
    tpu.vector_store %arg7[%swap3A_247, %swap3A_248], %add3A_246 {strides = array<i32>} : memref<1x1024xi32, #tpu.memory_space<vmem>>, vector<1x1024xi32>,
    %dma_start3A_250 = arith.constant 512 : i32
    %dma_start3A_251 = arith.constant 0 : i32
    %dma_start3A_252 = tpu.memref_slice %arg1[%dma_start3A_250, %dma_start3A_251] : memref<6144x1024xf32, #tpu.memory_space<any>> -> memref<128x1024xf32, #tpu.memory_space<any>>
    %dma_start3A_253 = arith.constant 0 : i32
    %dma_start3A_254 = arith.constant 0 : i32
    %dma_start3A_255 = tpu.memref_slice %arg5[%dma_start3A_253, %dma_start3A_254] : memref<1024x1024xf32, #tpu.memory_space<vmem>> -> memref<128x1024xf32, #tpu.memory_space<vmem>>
    tpu.enqueue_dma source(%dma_start3A_255 : memref<128x1024xf32, #tpu.memory_space<vmem>>) target(%dma_start3A_252 : memref<128x1024xf32, #tpu.memory_space<any>>) target_semaphore(%arg11 : memref<!tpu.dma_semaphore, #tpu.memory_space<semaphore_mem>>)
    %dma_start3A_256 = arith.constant 640 : i32
    %dma_start3A_257 = arith.constant 0 : i32
    %dma_start3A_258 = tpu.memref_slice %arg1[%dma_start3A_256, %dma_start3A_257] : memref<6144x1024xf32, #tpu.memory_space<any>> -> memref<128x1024xf32, #tpu.memory_space<any>>
    %dma_start3A_259 = arith.constant 128 : i32
    %dma_start3A_260 = arith.constant 0 : i32
    %dma_start3A_261 = tpu.memref_slice %arg5[%dma_start3A_259, %dma_start3A_260] : memref<1024x1024xf32, #tpu.memory_space<vmem>> -> memref<128x1024xf32, #tpu.memory_space<vmem>>
    tpu.enqueue_dma source(%dma_start3A_261 : memref<128x1024xf32, #tpu.memory_space<vmem>>) target(%dma_start3A_258 : memref<128x1024xf32, #tpu.memory_space<any>>) target_semaphore(%arg11 : memref<!tpu.dma_semaphore, #tpu.memory_space<semaphore_mem>>)
    %dma_start3A_262 = arith.constant 768 : i32
    %dma_start3A_263 = arith.constant 0 : i32
    %dma_start3A_264 = tpu.memref_slice %arg1[%dma_start3A_262, %dma_start3A_263] : memref<6144x1024xf32, #tpu.memory_space<any>> -> memref<128x1024xf32, #tpu.memory_space<any>>
    %dma_start3A_265 = arith.constant 256 : i32
    %dma_start3A_266 = arith.constant 0 : i32
    %dma_start3A_267 = tpu.memref_slice %arg5[%dma_start3A_265, %dma_start3A_266] : memref<1024x1024xf32, #tpu.memory_space<vmem>> -> memref<128x1024xf32, #tpu.memory_space<vmem>>
    tpu.enqueue_dma source(%dma_start3A_267 : memref<128x1024xf32, #tpu.memory_space<vmem>>) target(%dma_start3A_264 : memref<128x1024xf32, #tpu.memory_space<any>>) target_semaphore(%arg11 : memref<!tpu.dma_semaphore, #tpu.memory_space<semaphore_mem>>)
    %dma_start3A_268 = arith.constant 896 : i32
    %dma_start3A_269 = arith.constant 0 : i32
    %dma_start3A_270 = tpu.memref_slice %arg1[%dma_start3A_268, %dma_start3A_269] : memref<6144x1024xf32, #tpu.memory_space<any>> -> memref<128x1024xf32, #tpu.memory_space<any>>
    %dma_start3A_271 = arith.constant 384 : i32
    %dma_start3A_272 = arith.constant 0 : i32
    %dma_start3A_273 = tpu.memref_slice %arg5[%dma_start3A_271, %dma_start3A_272] : memref<1024x1024xf32, #tpu.memory_space<vmem>> -> memref<128x1024xf32, #tpu.memory_space<vmem>>
    tpu.enqueue_dma source(%dma_start3A_273 : memref<128x1024xf32, #tpu.memory_space<vmem>>) target(%dma_start3A_270 : memref<128x1024xf32, #tpu.memory_space<any>>) target_semaphore(%arg11 : memref<!tpu.dma_semaphore, #tpu.memory_space<semaphore_mem>>)
    %dma_start3A_274 = arith.constant 1024 : i32
    %dma_start3A_275 = arith.constant 0 : i32
    %dma_start3A_276 = tpu.memref_slice %arg1[%dma_start3A_274, %dma_start3A_275] : memref<6144x1024xf32, #tpu.memory_space<any>> -> memref<128x1024xf32, #tpu.memory_space<any>>
    %dma_start3A_277 = arith.constant 512 : i32
    %dma_start3A_278 = arith.constant 0 : i32
    %dma_start3A_279 = tpu.memref_slice %arg5[%dma_start3A_277, %dma_start3A_278] : memref<1024x1024xf32, #tpu.memory_space<vmem>> -> memref<128x1024xf32, #tpu.memory_space<vmem>>
    tpu.enqueue_dma source(%dma_start3A_279 : memref<128x1024xf32, #tpu.memory_space<vmem>>) target(%dma_start3A_276 : memref<128x1024xf32, #tpu.memory_space<any>>) target_semaphore(%arg11 : memref<!tpu.dma_semaphore, #tpu.memory_space<semaphore_mem>>)
    %dma_start3A_280 = arith.constant 1152 : i32
    %dma_start3A_281 = arith.constant 0 : i32
    %dma_start3A_282 = tpu.memref_slice %arg1[%dma_start3A_280, %dma_start3A_281] : memref<6144x1024xf32, #tpu.memory_space<any>> -> memref<128x1024xf32, #tpu.memory_space<any>>
    %dma_start3A_283 = arith.constant 640 : i32
    %dma_start3A_284 = arith.constant 0 : i32
    %dma_start3A_285 = tpu.memref_slice %arg5[%dma_start3A_283, %dma_start3A_284] : memref<1024x1024xf32, #tpu.memory_space<vmem>> -> memref<128x1024xf32, #tpu.memory_space<vmem>>
    tpu.enqueue_dma source(%dma_start3A_285 : memref<128x1024xf32, #tpu.memory_space<vmem>>) target(%dma_start3A_282 : memref<128x1024xf32, #tpu.memory_space<any>>) target_semaphore(%arg11 : memref<!tpu.dma_semaphore, #tpu.memory_space<semaphore_mem>>)
    %dma_start3A_286 = arith.constant 1280 : i32
    %dma_start3A_287 = arith.constant 0 : i32
    %dma_start3A_288 = tpu.memref_slice %arg1[%dma_start3A_286, %dma_start3A_287] : memref<6144x1024xf32, #tpu.memory_space<any>> -> memref<128x1024xf32, #tpu.memory_space<any>>
    %dma_start3A_289 = arith.constant 768 : i32
    %dma_start3A_290 = arith.constant 0 : i32
    %dma_start3A_291 = tpu.memref_slice %arg5[%dma_start3A_289, %dma_start3A_290] : memref<1024x1024xf32, #tpu.memory_space<vmem>> -> memref<128x1024xf32, #tpu.memory_space<vmem>>
    tpu.enqueue_dma source(%dma_start3A_291 : memref<128x1024xf32, #tpu.memory_space<vmem>>) target(%dma_start3A_288 : memref<128x1024xf32, #tpu.memory_space<any>>) target_semaphore(%arg11 : memref<!tpu.dma_semaphore, #tpu.memory_space<semaphore_mem>>)
    %dma_start3A_292 = arith.constant 1408 : i32
    %dma_start3A_293 = arith.constant 0 : i32
    %dma_start3A_294 = tpu.memref_slice %arg1[%dma_start3A_292, %dma_start3A_293] : memref<6144x1024xf32, #tpu.memory_space<any>> -> memref<128x1024xf32, #tpu.memory_space<any>>
    %dma_start3A_295 = arith.constant 896 : i32
    %dma_start3A_296 = arith.constant 0 : i32
    %dma_start3A_297 = tpu.memref_slice %arg5[%dma_start3A_295, %dma_start3A_296] : memref<1024x1024xf32, #tpu.memory_space<vmem>> -> memref<128x1024xf32, #tpu.memory_space<vmem>>
    tpu.enqueue_dma source(%dma_start3A_297 : memref<128x1024xf32, #tpu.memory_space<vmem>>) target(%dma_start3A_294 : memref<128x1024xf32, #tpu.memory_space<any>>) target_semaphore(%arg11 : memref<!tpu.dma_semaphore, #tpu.memory_space<semaphore_mem>>)
    %dma_start3A_298 = arith.constant 0 : i32
    %dma_start3A_299 = arith.constant 0 : i32
    %dma_start3A_300 = arith.constant 0 : i32
    %dma_start3A_301 = tpu.memref_slice %arg2[%dma_start3A_298, %dma_start3A_299, %dma_start3A_300] : memref<4x1x1024xi32, #tpu.memory_space<any>> -> memref<1x1x1024xi32, #tpu.memory_space<any>>
    %dma_start3A_302 = tpu.memref_squeeze %dma_start3A_301 : memref<1x1x1024xi32, #tpu.memory_space<any>> -> memref<1x1024xi32, #tpu.memory_space<any>>
    tpu.enqueue_dma source(%arg7 : memref<1x1024xi32, #tpu.memory_space<vmem>>) target(%dma_start3A_302 : memref<1x1024xi32, #tpu.memory_space<any>>) target_semaphore(%arg13 : memref<!tpu.dma_semaphore, #tpu.memory_space<semaphore_mem>>)
    %dma_start3A_303 = arith.constant 2 : i32
    %dma_start3A_304 = arith.constant 0 : i32
    %dma_start3A_305 = arith.constant 0 : i32
    %dma_start3A_306 = tpu.memref_slice %arg3[%dma_start3A_304, %dma_start3A_305] : memref<1024x2048xf32, #tpu.memory_space<vmem>> -> memref<128x2048xf32, #tpu.memory_space<vmem>>
    %dma_start3A_307 = arith.constant 0 : i32
    %dma_start3A_308 = arith.constant 0 : i32
    %dma_start3A_309 = tpu.memref_slice %arg0[%dma_start3A_303, %dma_start3A_307, %dma_start3A_308] : memref<4x1024x2048xf32, #tpu.memory_space<any>> -> memref<1x128x2048xf32, #tpu.memory_space<any>>
    %dma_start3A_310 = tpu.memref_squeeze %dma_start3A_309 : memref<1x128x2048xf32, #tpu.memory_space<any>> -> memref<128x2048xf32, #tpu.memory_space<any>>
    tpu.enqueue_dma source(%dma_start3A_310 : memref<128x2048xf32, #tpu.memory_space<any>>) target(%dma_start3A_306 : memref<128x2048xf32, #tpu.memory_space<vmem>>) target_semaphore(%arg9 : memref<!tpu.dma_semaphore, #tpu.memory_space<semaphore_mem>>)
    %dma_start3A_311 = arith.constant 2 : i32
    %dma_start3A_312 = arith.constant 128 : i32
    %dma_start3A_313 = arith.constant 0 : i32
    %dma_start3A_314 = tpu.memref_slice %arg3[%dma_start3A_312, %dma_start3A_313] : memref<1024x2048xf32, #tpu.memory_space<vmem>> -> memref<128x2048xf32, #tpu.memory_space<vmem>>
    %dma_start3A_315 = arith.constant 128 : i32
    %dma_start3A_316 = arith.constant 0 : i32
    %dma_start3A_317 = tpu.memref_slice %arg0[%dma_start3A_311, %dma_start3A_315, %dma_start3A_316] : memref<4x1024x2048xf32, #tpu.memory_space<any>> -> memref<1x128x2048xf32, #tpu.memory_space<any>>
    %dma_start3A_318 = tpu.memref_squeeze %dma_start3A_317 : memref<1x128x2048xf32, #tpu.memory_space<any>> -> memref<128x2048xf32, #tpu.memory_space<any>>
    tpu.enqueue_dma source(%dma_start3A_318 : memref<128x2048xf32, #tpu.memory_space<any>>) target(%dma_start3A_314 : memref<128x2048xf32, #tpu.memory_space<vmem>>) target_semaphore(%arg9 : memref<!tpu.dma_semaphore, #tpu.memory_space<semaphore_mem>>)
    %dma_start3A_319 = arith.constant 2 : i32
    %dma_start3A_320 = arith.constant 256 : i32
    %dma_start3A_321 = arith.constant 0 : i32
    %dma_start3A_322 = tpu.memref_slice %arg3[%dma_start3A_320, %dma_start3A_321] : memref<1024x2048xf32, #tpu.memory_space<vmem>> -> memref<128x2048xf32, #tpu.memory_space<vmem>>
    %dma_start3A_323 = arith.constant 256 : i32
    %dma_start3A_324 = arith.constant 0 : i32
    %dma_start3A_325 = tpu.memref_slice %arg0[%dma_start3A_319, %dma_start3A_323, %dma_start3A_324] : memref<4x1024x2048xf32, #tpu.memory_space<any>> -> memref<1x128x2048xf32, #tpu.memory_space<any>>
    %dma_start3A_326 = tpu.memref_squeeze %dma_start3A_325 : memref<1x128x2048xf32, #tpu.memory_space<any>> -> memref<128x2048xf32, #tpu.memory_space<any>>
    tpu.enqueue_dma source(%dma_start3A_326 : memref<128x2048xf32, #tpu.memory_space<any>>) target(%dma_start3A_322 : memref<128x2048xf32, #tpu.memory_space<vmem>>) target_semaphore(%arg9 : memref<!tpu.dma_semaphore, #tpu.memory_space<semaphore_mem>>)
    %dma_start3A_327 = arith.constant 2 : i32
    %dma_start3A_328 = arith.constant 384 : i32
    %dma_start3A_329 = arith.constant 0 : i32
    %dma_start3A_330 = tpu.memref_slice %arg3[%dma_start3A_328, %dma_start3A_329] : memref<1024x2048xf32, #tpu.memory_space<vmem>> -> memref<128x2048xf32, #tpu.memory_space<vmem>>
    %dma_start3A_331 = arith.constant 384 : i32
    %dma_start3A_332 = arith.constant 0 : i32
    %dma_start3A_333 = tpu.memref_slice %arg0[%dma_start3A_327, %dma_start3A_331, %dma_start3A_332] : memref<4x1024x2048xf32, #tpu.memory_space<any>> -> memref<1x128x2048xf32, #tpu.memory_space<any>>
    %dma_start3A_334 = tpu.memref_squeeze %dma_start3A_333 : memref<1x128x2048xf32, #tpu.memory_space<any>> -> memref<128x2048xf32, #tpu.memory_space<any>>
    tpu.enqueue_dma source(%dma_start3A_334 : memref<128x2048xf32, #tpu.memory_space<any>>) target(%dma_start3A_330 : memref<128x2048xf32, #tpu.memory_space<vmem>>) target_semaphore(%arg9 : memref<!tpu.dma_semaphore, #tpu.memory_space<semaphore_mem>>)
    %dma_start3A_335 = arith.constant 2 : i32
    %dma_start3A_336 = arith.constant 512 : i32
    %dma_start3A_337 = arith.constant 0 : i32
    %dma_start3A_338 = tpu.memref_slice %arg3[%dma_start3A_336, %dma_start3A_337] : memref<1024x2048xf32, #tpu.memory_space<vmem>> -> memref<128x2048xf32, #tpu.memory_space<vmem>>
    %dma_start3A_339 = arith.constant 512 : i32
    %dma_start3A_340 = arith.constant 0 : i32
    %dma_start3A_341 = tpu.memref_slice %arg0[%dma_start3A_335, %dma_start3A_339, %dma_start3A_340] : memref<4x1024x2048xf32, #tpu.memory_space<any>> -> memref<1x128x2048xf32, #tpu.memory_space<any>>
    %dma_start3A_342 = tpu.memref_squeeze %dma_start3A_341 : memref<1x128x2048xf32, #tpu.memory_space<any>> -> memref<128x2048xf32, #tpu.memory_space<any>>
    tpu.enqueue_dma source(%dma_start3A_342 : memref<128x2048xf32, #tpu.memory_space<any>>) target(%dma_start3A_338 : memref<128x2048xf32, #tpu.memory_space<vmem>>) target_semaphore(%arg9 : memref<!tpu.dma_semaphore, #tpu.memory_space<semaphore_mem>>)
    %dma_start3A_343 = arith.constant 2 : i32
    %dma_start3A_344 = arith.constant 640 : i32
    %dma_start3A_345 = arith.constant 0 : i32
    %dma_start3A_346 = tpu.memref_slice %arg3[%dma_start3A_344, %dma_start3A_345] : memref<1024x2048xf32, #tpu.memory_space<vmem>> -> memref<128x2048xf32, #tpu.memory_space<vmem>>
    %dma_start3A_347 = arith.constant 640 : i32
    %dma_start3A_348 = arith.constant 0 : i32
    %dma_start3A_349 = tpu.memref_slice %arg0[%dma_start3A_343, %dma_start3A_347, %dma_start3A_348] : memref<4x1024x2048xf32, #tpu.memory_space<any>> -> memref<1x128x2048xf32, #tpu.memory_space<any>>
    %dma_start3A_350 = tpu.memref_squeeze %dma_start3A_349 : memref<1x128x2048xf32, #tpu.memory_space<any>> -> memref<128x2048xf32, #tpu.memory_space<any>>
    tpu.enqueue_dma source(%dma_start3A_350 : memref<128x2048xf32, #tpu.memory_space<any>>) target(%dma_start3A_346 : memref<128x2048xf32, #tpu.memory_space<vmem>>) target_semaphore(%arg9 : memref<!tpu.dma_semaphore, #tpu.memory_space<semaphore_mem>>)
    %dma_start3A_351 = arith.constant 2 : i32
    %dma_start3A_352 = arith.constant 768 : i32
    %dma_start3A_353 = arith.constant 0 : i32
    %dma_start3A_354 = tpu.memref_slice %arg3[%dma_start3A_352, %dma_start3A_353] : memref<1024x2048xf32, #tpu.memory_space<vmem>> -> memref<128x2048xf32, #tpu.memory_space<vmem>>
    %dma_start3A_355 = arith.constant 768 : i32
    %dma_start3A_356 = arith.constant 0 : i32
    %dma_start3A_357 = tpu.memref_slice %arg0[%dma_start3A_351, %dma_start3A_355, %dma_start3A_356] : memref<4x1024x2048xf32, #tpu.memory_space<any>> -> memref<1x128x2048xf32, #tpu.memory_space<any>>
    %dma_start3A_358 = tpu.memref_squeeze %dma_start3A_357 : memref<1x128x2048xf32, #tpu.memory_space<any>> -> memref<128x2048xf32, #tpu.memory_space<any>>
    tpu.enqueue_dma source(%dma_start3A_358 : memref<128x2048xf32, #tpu.memory_space<any>>) target(%dma_start3A_354 : memref<128x2048xf32, #tpu.memory_space<vmem>>) target_semaphore(%arg9 : memref<!tpu.dma_semaphore, #tpu.memory_space<semaphore_mem>>)
    %dma_start3A_359 = arith.constant 2 : i32
    %dma_start3A_360 = arith.constant 896 : i32
    %dma_start3A_361 = arith.constant 0 : i32
    %dma_start3A_362 = tpu.memref_slice %arg3[%dma_start3A_360, %dma_start3A_361] : memref<1024x2048xf32, #tpu.memory_space<vmem>> -> memref<128x2048xf32, #tpu.memory_space<vmem>>
    %dma_start3A_363 = arith.constant 896 : i32
    %dma_start3A_364 = arith.constant 0 : i32
    %dma_start3A_365 = tpu.memref_slice %arg0[%dma_start3A_359, %dma_start3A_363, %dma_start3A_364] : memref<4x1024x2048xf32, #tpu.memory_space<any>> -> memref<1x128x2048xf32, #tpu.memory_space<any>>
    %dma_start3A_366 = tpu.memref_squeeze %dma_start3A_365 : memref<1x128x2048xf32, #tpu.memory_space<any>> -> memref<128x2048xf32, #tpu.memory_space<any>>
    tpu.enqueue_dma source(%dma_start3A_366 : memref<128x2048xf32, #tpu.memory_space<any>>) target(%dma_start3A_362 : memref<128x2048xf32, #tpu.memory_space<vmem>>) target_semaphore(%arg9 : memref<!tpu.dma_semaphore, #tpu.memory_space<semaphore_mem>>)
    %dma_wait3A_367 = arith.constant 1 : i32
    %dma_wait3A_368 = arith.constant 0 : i32
    %dma_wait3A_369 = arith.constant 0 : i32
    %dma_wait3A_370 = tpu.memref_slice %arg4[%dma_wait3A_368, %dma_wait3A_369] : memref<1024x2048xf32, #tpu.memory_space<vmem>> -> memref<128x2048xf32, #tpu.memory_space<vmem>>
    %dma_wait3A_371 = arith.constant 0 : i32
    %dma_wait3A_372 = arith.constant 0 : i32
    %dma_wait3A_373 = tpu.memref_slice %arg0[%dma_wait3A_367, %dma_wait3A_371, %dma_wait3A_372] : memref<4x1024x2048xf32, #tpu.memory_space<any>> -> memref<1x128x2048xf32, #tpu.memory_space<any>>
    %dma_wait3A_374 = tpu.memref_squeeze %dma_wait3A_373 : memref<1x128x2048xf32, #tpu.memory_space<any>> -> memref<128x2048xf32, #tpu.memory_space<any>>
    tpu.wait_dma2 semaphore(%arg10 : memref<!tpu.dma_semaphore, #tpu.memory_space<semaphore_mem>>) src(%dma_wait3A_374 : memref<128x2048xf32, #tpu.memory_space<any>>) dst(%dma_wait3A_370 : memref<128x2048xf32, #tpu.memory_space<vmem>>)
    %dma_wait3A_375 = arith.constant 1 : i32
    %dma_wait3A_376 = arith.constant 128 : i32
    %dma_wait3A_377 = arith.constant 0 : i32
    %dma_wait3A_378 = tpu.memref_slice %arg4[%dma_wait3A_376, %dma_wait3A_377] : memref<1024x2048xf32, #tpu.memory_space<vmem>> -> memref<128x2048xf32, #tpu.memory_space<vmem>>
    %dma_wait3A_379 = arith.constant 128 : i32
    %dma_wait3A_380 = arith.constant 0 : i32
    %dma_wait3A_381 = tpu.memref_slice %arg0[%dma_wait3A_375, %dma_wait3A_379, %dma_wait3A_380] : memref<4x1024x2048xf32, #tpu.memory_space<any>> -> memref<1x128x2048xf32, #tpu.memory_space<any>>
    %dma_wait3A_382 = tpu.memref_squeeze %dma_wait3A_381 : memref<1x128x2048xf32, #tpu.memory_space<any>> -> memref<128x2048xf32, #tpu.memory_space<any>>
    tpu.wait_dma2 semaphore(%arg10 : memref<!tpu.dma_semaphore, #tpu.memory_space<semaphore_mem>>) src(%dma_wait3A_382 : memref<128x2048xf32, #tpu.memory_space<any>>) dst(%dma_wait3A_378 : memref<128x2048xf32, #tpu.memory_space<vmem>>)
    %dma_wait3A_383 = arith.constant 1 : i32
    %dma_wait3A_384 = arith.constant 256 : i32
    %dma_wait3A_385 = arith.constant 0 : i32
    %dma_wait3A_386 = tpu.memref_slice %arg4[%dma_wait3A_384, %dma_wait3A_385] : memref<1024x2048xf32, #tpu.memory_space<vmem>> -> memref<128x2048xf32, #tpu.memory_space<vmem>>
    %dma_wait3A_387 = arith.constant 256 : i32
    %dma_wait3A_388 = arith.constant 0 : i32
    %dma_wait3A_389 = tpu.memref_slice %arg0[%dma_wait3A_383, %dma_wait3A_387, %dma_wait3A_388] : memref<4x1024x2048xf32, #tpu.memory_space<any>> -> memref<1x128x2048xf32, #tpu.memory_space<any>>
    %dma_wait3A_390 = tpu.memref_squeeze %dma_wait3A_389 : memref<1x128x2048xf32, #tpu.memory_space<any>> -> memref<128x2048xf32, #tpu.memory_space<any>>
    tpu.wait_dma2 semaphore(%arg10 : memref<!tpu.dma_semaphore, #tpu.memory_space<semaphore_mem>>) src(%dma_wait3A_390 : memref<128x2048xf32, #tpu.memory_space<any>>) dst(%dma_wait3A_386 : memref<128x2048xf32, #tpu.memory_space<vmem>>)
    %dma_wait3A_391 = arith.constant 1 : i32
    %dma_wait3A_392 = arith.constant 384 : i32
    %dma_wait3A_393 = arith.constant 0 : i32
    %dma_wait3A_394 = tpu.memref_slice %arg4[%dma_wait3A_392, %dma_wait3A_393] : memref<1024x2048xf32, #tpu.memory_space<vmem>> -> memref<128x2048xf32, #tpu.memory_space<vmem>>
    %dma_wait3A_395 = arith.constant 384 : i32
    %dma_wait3A_396 = arith.constant 0 : i32
    %dma_wait3A_397 = tpu.memref_slice %arg0[%dma_wait3A_391, %dma_wait3A_395, %dma_wait3A_396] : memref<4x1024x2048xf32, #tpu.memory_space<any>> -> memref<1x128x2048xf32, #tpu.memory_space<any>>
    %dma_wait3A_398 = tpu.memref_squeeze %dma_wait3A_397 : memref<1x128x2048xf32, #tpu.memory_space<any>> -> memref<128x2048xf32, #tpu.memory_space<any>>
    tpu.wait_dma2 semaphore(%arg10 : memref<!tpu.dma_semaphore, #tpu.memory_space<semaphore_mem>>) src(%dma_wait3A_398 : memref<128x2048xf32, #tpu.memory_space<any>>) dst(%dma_wait3A_394 : memref<128x2048xf32, #tpu.memory_space<vmem>>)
    %dma_wait3A_399 = arith.constant 1 : i32
    %dma_wait3A_400 = arith.constant 512 : i32
    %dma_wait3A_401 = arith.constant 0 : i32
    %dma_wait3A_402 = tpu.memref_slice %arg4[%dma_wait3A_400, %dma_wait3A_401] : memref<1024x2048xf32, #tpu.memory_space<vmem>> -> memref<128x2048xf32, #tpu.memory_space<vmem>>
    %dma_wait3A_403 = arith.constant 512 : i32
    %dma_wait3A_404 = arith.constant 0 : i32
    %dma_wait3A_405 = tpu.memref_slice %arg0[%dma_wait3A_399, %dma_wait3A_403, %dma_wait3A_404] : memref<4x1024x2048xf32, #tpu.memory_space<any>> -> memref<1x128x2048xf32, #tpu.memory_space<any>>
    %dma_wait3A_406 = tpu.memref_squeeze %dma_wait3A_405 : memref<1x128x2048xf32, #tpu.memory_space<any>> -> memref<128x2048xf32, #tpu.memory_space<any>>
    tpu.wait_dma2 semaphore(%arg10 : memref<!tpu.dma_semaphore, #tpu.memory_space<semaphore_mem>>) src(%dma_wait3A_406 : memref<128x2048xf32, #tpu.memory_space<any>>) dst(%dma_wait3A_402 : memref<128x2048xf32, #tpu.memory_space<vmem>>)
    %dma_wait3A_407 = arith.constant 1 : i32
    %dma_wait3A_408 = arith.constant 640 : i32
    %dma_wait3A_409 = arith.constant 0 : i32
    %dma_wait3A_410 = tpu.memref_slice %arg4[%dma_wait3A_408, %dma_wait3A_409] : memref<1024x2048xf32, #tpu.memory_space<vmem>> -> memref<128x2048xf32, #tpu.memory_space<vmem>>
    %dma_wait3A_411 = arith.constant 640 : i32
    %dma_wait3A_412 = arith.constant 0 : i32
    %dma_wait3A_413 = tpu.memref_slice %arg0[%dma_wait3A_407, %dma_wait3A_411, %dma_wait3A_412] : memref<4x1024x2048xf32, #tpu.memory_space<any>> -> memref<1x128x2048xf32, #tpu.memory_space<any>>
    %dma_wait3A_414 = tpu.memref_squeeze %dma_wait3A_413 : memref<1x128x2048xf32, #tpu.memory_space<any>> -> memref<128x2048xf32, #tpu.memory_space<any>>
    tpu.wait_dma2 semaphore(%arg10 : memref<!tpu.dma_semaphore, #tpu.memory_space<semaphore_mem>>) src(%dma_wait3A_414 : memref<128x2048xf32, #tpu.memory_space<any>>) dst(%dma_wait3A_410 : memref<128x2048xf32, #tpu.memory_space<vmem>>)
    %dma_wait3A_415 = arith.constant 1 : i32
    %dma_wait3A_416 = arith.constant 768 : i32
    %dma_wait3A_417 = arith.constant 0 : i32
    %dma_wait3A_418 = tpu.memref_slice %arg4[%dma_wait3A_416, %dma_wait3A_417] : memref<1024x2048xf32, #tpu.memory_space<vmem>> -> memref<128x2048xf32, #tpu.memory_space<vmem>>
    %dma_wait3A_419 = arith.constant 768 : i32
    %dma_wait3A_420 = arith.constant 0 : i32
    %dma_wait3A_421 = tpu.memref_slice %arg0[%dma_wait3A_415, %dma_wait3A_419, %dma_wait3A_420] : memref<4x1024x2048xf32, #tpu.memory_space<any>> -> memref<1x128x2048xf32, #tpu.memory_space<any>>
    %dma_wait3A_422 = tpu.memref_squeeze %dma_wait3A_421 : memref<1x128x2048xf32, #tpu.memory_space<any>> -> memref<128x2048xf32, #tpu.memory_space<any>>
    tpu.wait_dma2 semaphore(%arg10 : memref<!tpu.dma_semaphore, #tpu.memory_space<semaphore_mem>>) src(%dma_wait3A_422 : memref<128x2048xf32, #tpu.memory_space<any>>) dst(%dma_wait3A_418 : memref<128x2048xf32, #tpu.memory_space<vmem>>)
    %dma_wait3A_423 = arith.constant 1 : i32
    %dma_wait3A_424 = arith.constant 896 : i32
    %dma_wait3A_425 = arith.constant 0 : i32
    %dma_wait3A_426 = tpu.memref_slice %arg4[%dma_wait3A_424, %dma_wait3A_425] : memref<1024x2048xf32, #tpu.memory_space<vmem>> -> memref<128x2048xf32, #tpu.memory_space<vmem>>
    %dma_wait3A_427 = arith.constant 896 : i32
    %dma_wait3A_428 = arith.constant 0 : i32
    %dma_wait3A_429 = tpu.memref_slice %arg0[%dma_wait3A_423, %dma_wait3A_427, %dma_wait3A_428] : memref<4x1024x2048xf32, #tpu.memory_space<any>> -> memref<1x128x2048xf32, #tpu.memory_space<any>>
    %dma_wait3A_430 = tpu.memref_squeeze %dma_wait3A_429 : memref<1x128x2048xf32, #tpu.memory_space<any>> -> memref<128x2048xf32, #tpu.memory_space<any>>
    tpu.wait_dma2 semaphore(%arg10 : memref<!tpu.dma_semaphore, #tpu.memory_space<semaphore_mem>>) src(%dma_wait3A_430 : memref<128x2048xf32, #tpu.memory_space<any>>) dst(%dma_wait3A_426 : memref<128x2048xf32, #tpu.memory_space<vmem>>)
    %get3A_431 = arith.constant 0 : index
    %get3A_432 = arith.constant 0 : index
    %get3A_433 = vector.load %arg4[%get3A_431, %get3A_432] : memref<1024x2048xf32, #tpu.memory_space<vmem>>, vector<1024x2048xf32>
    %slice3A_434 = vector.extract_strided_slice %get3A_433 {offsets = [0, 0], sizes = [1024, 1024], strides = [1, 1]} : vector<1024x2048xf32> to vector<1024x1024xf32>
    %slice3A_435 = vector.extract_strided_slice %get3A_433 {offsets = [0, 1024], sizes = [1024, 1024], strides = [1, 1]} : vector<1024x2048xf32> to vector<1024x1024xf32>
    %dot_general3A_436 = arith.constant dense<0.000000e+00> : vector<1024x1024xf32>
    %dot_general3A_437 = tpu.matmul %slice3A_434, %slice3A_435, %dot_general3A_436 {dimension_numbers = #tpu.dot_dimension_numbers<[1], [1], [0], [0], [0, 0, 1, 0], [], []>, transpose_lhs_hint = false} : vector<1024x1024xf32>, vector<1024x1024xf32>, vector<1024x1024xf32> -> vector<1024x1024xf32>
    %iota3A_438 = tpu.iota {dimensions = array<i32: 1>} : vector<1024x1024xi32>
    %iota3A_439 = tpu.iota {dimensions = array<i32: 0>} : vector<1024x1024xi32>
    %reduce_max3A_440 = arith.constant dense<0xFF800000> : vector<1024xf32>
    %reduce_max3A_441 = vector.multi_reduction <maximumf>, %dot_general3A_437, %reduce_max3A_440 [1] : vector<1024x1024xf32> to vector<1024xf32>
    %broadcast_in_dim3A_442 = vector.shape_cast %reduce_max3A_441 : vector<1024xf32> to vector<1024x1xf32>
    %transpose3A_443 = tpu.transpose %broadcast_in_dim3A_442, [1, 0] : vector<1024x1xf32> -> vector<1x1024xf32>
    %eq3A_444 = vector.broadcast %broadcast_in_dim3A_442 : vector<1024x1xf32> to vector<1024x1024xf32>
    %eq3A_445 = arith.cmpf oeq, %dot_general3A_437, %eq3A_444 : vector<1024x1024xf32>
    %jit3A_446 = arith.constant 1024 : i32
    %broadcast_in_dim3A_447 = vector.broadcast %jit3A_446 : i32 to vector<1024x1024xi32>
    %select_n3A_448 = arith.select %eq3A_445, %iota3A_438, %broadcast_in_dim3A_447 : vector<1024x1024xi1>, vector<1024x1024xi32>
    %reduce_min3A_449 = arith.constant dense<2147483647> : vector<1024xi32>
    %reduce_min3A_450 = vector.multi_reduction <minsi>, %select_n3A_448, %reduce_min3A_449 [1] : vector<1024x1024xi32> to vector<1024xi32>
    %broadcast_in_dim3A_451 = vector.shape_cast %reduce_min3A_450 : vector<1024xi32> to vector<1024x1xi32>
    %transpose3A_452 = tpu.transpose %broadcast_in_dim3A_451, [1, 0] : vector<1024x1xi32> -> vector<1x1024xi32>
    %gt3A_453 = vector.broadcast %transpose3A_443 : vector<1x1024xf32> to vector<1024x1024xf32>
    %gt3A_454 = vector.broadcast %broadcast_in_dim3A_442 : vector<1024x1xf32> to vector<1024x1024xf32>
    %gt3A_455 = arith.cmpf ogt, %gt3A_453, %gt3A_454 : vector<1024x1024xf32>
    %eq3A_456 = vector.broadcast %transpose3A_443 : vector<1x1024xf32> to vector<1024x1024xf32>
    %eq3A_457 = vector.broadcast %broadcast_in_dim3A_442 : vector<1024x1xf32> to vector<1024x1024xf32>
    %eq3A_458 = arith.cmpf oeq, %eq3A_456, %eq3A_457 : vector<1024x1024xf32>
    %lt3A_459 = arith.cmpi slt, %iota3A_438, %iota3A_439 : vector<1024x1024xi32>
    %and3A_460 = arith.andi %eq3A_458, %lt3A_459 : vector<1024x1024xi1>
    %or3A_461 = arith.ori %gt3A_455, %and3A_460 : vector<1024x1024xi1>
    %convert_element_type3A_462 = arith.extui %or3A_461 : vector<1024x1024xi1> to vector<1024x1024xi32>
    %reduce_sum3A_463 = arith.constant dense<0> : vector<1024xi32>
    %reduce_sum3A_464 = vector.multi_reduction <add>, %convert_element_type3A_462, %reduce_sum3A_463 [1] : vector<1024x1024xi32> to vector<1024xi32>
    %broadcast_in_dim3A_465 = vector.shape_cast %reduce_sum3A_464 : vector<1024xi32> to vector<1024x1xi32>
    %transpose3A_466 = tpu.transpose %broadcast_in_dim3A_465, [1, 0] : vector<1024x1xi32> -> vector<1x1024xi32>
    %lt3A_467 = arith.constant 512 : i32
    %lt3A_468 = vector.broadcast %lt3A_467 : i32 to vector<1x1024xi32>
    %lt3A_469 = arith.cmpi slt, %transpose3A_466, %lt3A_468 : vector<1x1024xi32>
    %eq3A_470 = vector.broadcast %transpose3A_452 : vector<1x1024xi32> to vector<1024x1024xi32>
    %eq3A_471 = arith.cmpi eq, %eq3A_470, %iota3A_439 : vector<1024x1024xi32>
    %and3A_472 = vector.broadcast %lt3A_469 : vector<1x1024xi1> to vector<1024x1024xi1>
    %and3A_473 = arith.andi %eq3A_471, %and3A_472 : vector<1024x1024xi1>
    %convert_element_type3A_474 = arith.extui %and3A_473 : vector<1024x1024xi1> to vector<1024x1024xi32>
    %convert_element_type3A_475 = arith.sitofp %convert_element_type3A_474 : vector<1024x1024xi32> to vector<1024x1024xf32>
    %convert_element_type3A_476 = arith.truncf %convert_element_type3A_475 : vector<1024x1024xf32> to vector<1024x1024xbf16>
    %convert_element_type3A_477 = arith.truncf %slice3A_434 : vector<1024x1024xf32> to vector<1024x1024xbf16>
    %dot_general3A_478 = arith.constant dense<0.000000e+00> : vector<1024x1024xf32>
    %dot_general3A_479 = tpu.matmul %convert_element_type3A_476, %convert_element_type3A_477, %dot_general3A_478 {dimension_numbers = #tpu.dot_dimension_numbers<[1], [0], [0], [1], [0, 0, 1, 1], [], []>, transpose_lhs_hint = false} : vector<1024x1024xbf16>, vector<1024x1024xbf16>, vector<1024x1024xf32> -> vector<1024x1024xf32>
    %reduce_sum3A_480 = arith.constant dense<0.000000e+00> : vector<1024xf32>
    %reduce_sum3A_481 = vector.multi_reduction <add>, %convert_element_type3A_475, %reduce_sum3A_480 [1] : vector<1024x1024xf32> to vector<1024xf32>
    %broadcast_in_dim3A_482 = vector.shape_cast %reduce_sum3A_481 : vector<1024xf32> to vector<1024x1xf32>
    %add3A_483 = arith.constant 1.000000e+00 : f32
    %add3A_484 = vector.broadcast %add3A_483 : f32 to vector<1024x1xf32>
    %add3A_485 = arith.addf %add3A_484, %broadcast_in_dim3A_482 : vector<1024x1xf32>
    %add3A_486 = arith.addf %slice3A_435, %dot_general3A_479 : vector<1024x1024xf32>
    %div3A_487 = arith.constant 1.000000e+00 : f32
    %div3A_488 = vector.broadcast %div3A_487 : f32 to vector<1024x1xf32>
    %div3A_489 = arith.divf %div3A_488, %add3A_485 : vector<1024x1xf32>
    %mul3A_490 = vector.broadcast %div3A_489 : vector<1024x1xf32> to vector<1024x1024xf32>
    %mul3A_491 = arith.mulf %add3A_486, %mul3A_490 : vector<1024x1024xf32>
    %swap3A_492 = arith.constant 0 : index
    %swap3A_493 = arith.constant 0 : index
    %swap3A_494 = vector.load %arg6[%swap3A_492, %swap3A_493] : memref<1024x1024xf32, #tpu.memory_space<vmem>>, vector<1024x1024xf32>
    tpu.vector_store %arg6[%swap3A_492, %swap3A_493], %mul3A_491 {strides = array<i32>} : memref<1024x1024xf32, #tpu.memory_space<vmem>>, vector<1024x1024xf32>,
    %eq3A_495 = vector.broadcast %broadcast_in_dim3A_465 : vector<1024x1xi32> to vector<1024x1024xi32>
    %eq3A_496 = arith.cmpi eq, %eq3A_495, %iota3A_438 : vector<1024x1024xi32>
    %jit3A_497 = arith.constant 0 : i32
    %broadcast_in_dim3A_498 = vector.broadcast %jit3A_497 : i32 to vector<1024x1024xi32>
    %select_n3A_499 = arith.select %eq3A_496, %iota3A_439, %broadcast_in_dim3A_498 : vector<1024x1024xi1>, vector<1024x1024xi32>
    %reduce_sum3A_500 = arith.constant dense<0> : vector<1024xi32>
    %reduce_sum3A_501 = vector.multi_reduction <add>, %select_n3A_499, %reduce_sum3A_500 [0] : vector<1024x1024xi32> to vector<1024xi32>
    %broadcast_in_dim3A_502 = vector.shape_cast %reduce_sum3A_501 : vector<1024xi32> to vector<1x1024xi32>
    %mul3A_503 = arith.constant 2 : i32
    %mul3A_504 = vector.broadcast %mul3A_503 : i32 to vector<1x1024xi32>
    %mul3A_505 = arith.muli %mul3A_504, %broadcast_in_dim3A_502 : vector<1x1024xi32>
    %add3A_506 = arith.constant 2048 : i32
    %add3A_507 = vector.broadcast %add3A_506 : i32 to vector<1x1024xi32>
    %add3A_508 = arith.addi %add3A_507, %mul3A_505 : vector<1x1024xi32>
    %swap3A_509 = arith.constant 0 : index
    %swap3A_510 = arith.constant 0 : index
    %swap3A_511 = vector.load %arg8[%swap3A_509, %swap3A_510] : memref<1x1024xi32, #tpu.memory_space<vmem>>, vector<1x1024xi32>
    tpu.vector_store %arg8[%swap3A_509, %swap3A_510], %add3A_508 {strides = array<i32>} : memref<1x1024xi32, #tpu.memory_space<vmem>>, vector<1x1024xi32>,
    %dma_start3A_512 = arith.constant 2048 : i32
    %dma_start3A_513 = arith.constant 0 : i32
    %dma_start3A_514 = tpu.memref_slice %arg1[%dma_start3A_512, %dma_start3A_513] : memref<6144x1024xf32, #tpu.memory_space<any>> -> memref<128x1024xf32, #tpu.memory_space<any>>
    %dma_start3A_515 = arith.constant 0 : i32
    %dma_start3A_516 = arith.constant 0 : i32
    %dma_start3A_517 = tpu.memref_slice %arg6[%dma_start3A_515, %dma_start3A_516] : memref<1024x1024xf32, #tpu.memory_space<vmem>> -> memref<128x1024xf32, #tpu.memory_space<vmem>>
    tpu.enqueue_dma source(%dma_start3A_517 : memref<128x1024xf32, #tpu.memory_space<vmem>>) target(%dma_start3A_514 : memref<128x1024xf32, #tpu.memory_space<any>>) target_semaphore(%arg12 : memref<!tpu.dma_semaphore, #tpu.memory_space<semaphore_mem>>)
    %dma_start3A_518 = arith.constant 2176 : i32
    %dma_start3A_519 = arith.constant 0 : i32
    %dma_start3A_520 = tpu.memref_slice %arg1[%dma_start3A_518, %dma_start3A_519] : memref<6144x1024xf32, #tpu.memory_space<any>> -> memref<128x1024xf32, #tpu.memory_space<any>>
    %dma_start3A_521 = arith.constant 128 : i32
    %dma_start3A_522 = arith.constant 0 : i32
    %dma_start3A_523 = tpu.memref_slice %arg6[%dma_start3A_521, %dma_start3A_522] : memref<1024x1024xf32, #tpu.memory_space<vmem>> -> memref<128x1024xf32, #tpu.memory_space<vmem>>
    tpu.enqueue_dma source(%dma_start3A_523 : memref<128x1024xf32, #tpu.memory_space<vmem>>) target(%dma_start3A_520 : memref<128x1024xf32, #tpu.memory_space<any>>) target_semaphore(%arg12 : memref<!tpu.dma_semaphore, #tpu.memory_space<semaphore_mem>>)
    %dma_start3A_524 = arith.constant 2304 : i32
    %dma_start3A_525 = arith.constant 0 : i32
    %dma_start3A_526 = tpu.memref_slice %arg1[%dma_start3A_524, %dma_start3A_525] : memref<6144x1024xf32, #tpu.memory_space<any>> -> memref<128x1024xf32, #tpu.memory_space<any>>
    %dma_start3A_527 = arith.constant 256 : i32
    %dma_start3A_528 = arith.constant 0 : i32
    %dma_start3A_529 = tpu.memref_slice %arg6[%dma_start3A_527, %dma_start3A_528] : memref<1024x1024xf32, #tpu.memory_space<vmem>> -> memref<128x1024xf32, #tpu.memory_space<vmem>>
    tpu.enqueue_dma source(%dma_start3A_529 : memref<128x1024xf32, #tpu.memory_space<vmem>>) target(%dma_start3A_526 : memref<128x1024xf32, #tpu.memory_space<any>>) target_semaphore(%arg12 : memref<!tpu.dma_semaphore, #tpu.memory_space<semaphore_mem>>)
    %dma_start3A_530 = arith.constant 2432 : i32
    %dma_start3A_531 = arith.constant 0 : i32
    %dma_start3A_532 = tpu.memref_slice %arg1[%dma_start3A_530, %dma_start3A_531] : memref<6144x1024xf32, #tpu.memory_space<any>> -> memref<128x1024xf32, #tpu.memory_space<any>>
    %dma_start3A_533 = arith.constant 384 : i32
    %dma_start3A_534 = arith.constant 0 : i32
    %dma_start3A_535 = tpu.memref_slice %arg6[%dma_start3A_533, %dma_start3A_534] : memref<1024x1024xf32, #tpu.memory_space<vmem>> -> memref<128x1024xf32, #tpu.memory_space<vmem>>
    tpu.enqueue_dma source(%dma_start3A_535 : memref<128x1024xf32, #tpu.memory_space<vmem>>) target(%dma_start3A_532 : memref<128x1024xf32, #tpu.memory_space<any>>) target_semaphore(%arg12 : memref<!tpu.dma_semaphore, #tpu.memory_space<semaphore_mem>>)
    %dma_start3A_536 = arith.constant 2560 : i32
    %dma_start3A_537 = arith.constant 0 : i32
    %dma_start3A_538 = tpu.memref_slice %arg1[%dma_start3A_536, %dma_start3A_537] : memref<6144x1024xf32, #tpu.memory_space<any>> -> memref<128x1024xf32, #tpu.memory_space<any>>
    %dma_start3A_539 = arith.constant 512 : i32
    %dma_start3A_540 = arith.constant 0 : i32
    %dma_start3A_541 = tpu.memref_slice %arg6[%dma_start3A_539, %dma_start3A_540] : memref<1024x1024xf32, #tpu.memory_space<vmem>> -> memref<128x1024xf32, #tpu.memory_space<vmem>>
    tpu.enqueue_dma source(%dma_start3A_541 : memref<128x1024xf32, #tpu.memory_space<vmem>>) target(%dma_start3A_538 : memref<128x1024xf32, #tpu.memory_space<any>>) target_semaphore(%arg12 : memref<!tpu.dma_semaphore, #tpu.memory_space<semaphore_mem>>)
    %dma_start3A_542 = arith.constant 2688 : i32
    %dma_start3A_543 = arith.constant 0 : i32
    %dma_start3A_544 = tpu.memref_slice %arg1[%dma_start3A_542, %dma_start3A_543] : memref<6144x1024xf32, #tpu.memory_space<any>> -> memref<128x1024xf32, #tpu.memory_space<any>>
    %dma_start3A_545 = arith.constant 640 : i32
    %dma_start3A_546 = arith.constant 0 : i32
    %dma_start3A_547 = tpu.memref_slice %arg6[%dma_start3A_545, %dma_start3A_546] : memref<1024x1024xf32, #tpu.memory_space<vmem>> -> memref<128x1024xf32, #tpu.memory_space<vmem>>
    tpu.enqueue_dma source(%dma_start3A_547 : memref<128x1024xf32, #tpu.memory_space<vmem>>) target(%dma_start3A_544 : memref<128x1024xf32, #tpu.memory_space<any>>) target_semaphore(%arg12 : memref<!tpu.dma_semaphore, #tpu.memory_space<semaphore_mem>>)
    %dma_start3A_548 = arith.constant 2816 : i32
    %dma_start3A_549 = arith.constant 0 : i32
    %dma_start3A_550 = tpu.memref_slice %arg1[%dma_start3A_548, %dma_start3A_549] : memref<6144x1024xf32, #tpu.memory_space<any>> -> memref<128x1024xf32, #tpu.memory_space<any>>
    %dma_start3A_551 = arith.constant 768 : i32
    %dma_start3A_552 = arith.constant 0 : i32
    %dma_start3A_553 = tpu.memref_slice %arg6[%dma_start3A_551, %dma_start3A_552] : memref<1024x1024xf32, #tpu.memory_space<vmem>> -> memref<128x1024xf32, #tpu.memory_space<vmem>>
    tpu.enqueue_dma source(%dma_start3A_553 : memref<128x1024xf32, #tpu.memory_space<vmem>>) target(%dma_start3A_550 : memref<128x1024xf32, #tpu.memory_space<any>>) target_semaphore(%arg12 : memref<!tpu.dma_semaphore, #tpu.memory_space<semaphore_mem>>)
    %dma_start3A_554 = arith.constant 2944 : i32
    %dma_start3A_555 = arith.constant 0 : i32
    %dma_start3A_556 = tpu.memref_slice %arg1[%dma_start3A_554, %dma_start3A_555] : memref<6144x1024xf32, #tpu.memory_space<any>> -> memref<128x1024xf32, #tpu.memory_space<any>>
    %dma_start3A_557 = arith.constant 896 : i32
    %dma_start3A_558 = arith.constant 0 : i32
    %dma_start3A_559 = tpu.memref_slice %arg6[%dma_start3A_557, %dma_start3A_558] : memref<1024x1024xf32, #tpu.memory_space<vmem>> -> memref<128x1024xf32, #tpu.memory_space<vmem>>
    tpu.enqueue_dma source(%dma_start3A_559 : memref<128x1024xf32, #tpu.memory_space<vmem>>) target(%dma_start3A_556 : memref<128x1024xf32, #tpu.memory_space<any>>) target_semaphore(%arg12 : memref<!tpu.dma_semaphore, #tpu.memory_space<semaphore_mem>>)
    %dma_start3A_560 = arith.constant 1 : i32
    %dma_start3A_561 = arith.constant 0 : i32
    %dma_start3A_562 = arith.constant 0 : i32
    %dma_start3A_563 = tpu.memref_slice %arg2[%dma_start3A_560, %dma_start3A_561, %dma_start3A_562] : memref<4x1x1024xi32, #tpu.memory_space<any>> -> memref<1x1x1024xi32, #tpu.memory_space<any>>
    %dma_start3A_564 = tpu.memref_squeeze %dma_start3A_563 : memref<1x1x1024xi32, #tpu.memory_space<any>> -> memref<1x1024xi32, #tpu.memory_space<any>>
    tpu.enqueue_dma source(%arg8 : memref<1x1024xi32, #tpu.memory_space<vmem>>) target(%dma_start3A_564 : memref<1x1024xi32, #tpu.memory_space<any>>) target_semaphore(%arg14 : memref<!tpu.dma_semaphore, #tpu.memory_space<semaphore_mem>>)
    %dma_start3A_565 = arith.constant 3 : i32
    %dma_start3A_566 = arith.constant 0 : i32
    %dma_start3A_567 = arith.constant 0 : i32
    %dma_start3A_568 = tpu.memref_slice %arg4[%dma_start3A_566, %dma_start3A_567] : memref<1024x2048xf32, #tpu.memory_space<vmem>> -> memref<128x2048xf32, #tpu.memory_space<vmem>>
    %dma_start3A_569 = arith.constant 0 : i32
    %dma_start3A_570 = arith.constant 0 : i32
    %dma_start3A_571 = tpu.memref_slice %arg0[%dma_start3A_565, %dma_start3A_569, %dma_start3A_570] : memref<4x1024x2048xf32, #tpu.memory_space<any>> -> memref<1x128x2048xf32, #tpu.memory_space<any>>
    %dma_start3A_572 = tpu.memref_squeeze %dma_start3A_571 : memref<1x128x2048xf32, #tpu.memory_space<any>> -> memref<128x2048xf32, #tpu.memory_space<any>>
    tpu.enqueue_dma source(%dma_start3A_572 : memref<128x2048xf32, #tpu.memory_space<any>>) target(%dma_start3A_568 : memref<128x2048xf32, #tpu.memory_space<vmem>>) target_semaphore(%arg10 : memref<!tpu.dma_semaphore, #tpu.memory_space<semaphore_mem>>)
    %dma_start3A_573 = arith.constant 3 : i32
    %dma_start3A_574 = arith.constant 128 : i32
    %dma_start3A_575 = arith.constant 0 : i32
    %dma_start3A_576 = tpu.memref_slice %arg4[%dma_start3A_574, %dma_start3A_575] : memref<1024x2048xf32, #tpu.memory_space<vmem>> -> memref<128x2048xf32, #tpu.memory_space<vmem>>
    %dma_start3A_577 = arith.constant 128 : i32
    %dma_start3A_578 = arith.constant 0 : i32
    %dma_start3A_579 = tpu.memref_slice %arg0[%dma_start3A_573, %dma_start3A_577, %dma_start3A_578] : memref<4x1024x2048xf32, #tpu.memory_space<any>> -> memref<1x128x2048xf32, #tpu.memory_space<any>>
    %dma_start3A_580 = tpu.memref_squeeze %dma_start3A_579 : memref<1x128x2048xf32, #tpu.memory_space<any>> -> memref<128x2048xf32, #tpu.memory_space<any>>
    tpu.enqueue_dma source(%dma_start3A_580 : memref<128x2048xf32, #tpu.memory_space<any>>) target(%dma_start3A_576 : memref<128x2048xf32, #tpu.memory_space<vmem>>) target_semaphore(%arg10 : memref<!tpu.dma_semaphore, #tpu.memory_space<semaphore_mem>>)
    %dma_start3A_581 = arith.constant 3 : i32
    %dma_start3A_582 = arith.constant 256 : i32
    %dma_start3A_583 = arith.constant 0 : i32
    %dma_start3A_584 = tpu.memref_slice %arg4[%dma_start3A_582, %dma_start3A_583] : memref<1024x2048xf32, #tpu.memory_space<vmem>> -> memref<128x2048xf32, #tpu.memory_space<vmem>>
    %dma_start3A_585 = arith.constant 256 : i32
    %dma_start3A_586 = arith.constant 0 : i32
    %dma_start3A_587 = tpu.memref_slice %arg0[%dma_start3A_581, %dma_start3A_585, %dma_start3A_586] : memref<4x1024x2048xf32, #tpu.memory_space<any>> -> memref<1x128x2048xf32, #tpu.memory_space<any>>
    %dma_start3A_588 = tpu.memref_squeeze %dma_start3A_587 : memref<1x128x2048xf32, #tpu.memory_space<any>> -> memref<128x2048xf32, #tpu.memory_space<any>>
    tpu.enqueue_dma source(%dma_start3A_588 : memref<128x2048xf32, #tpu.memory_space<any>>) target(%dma_start3A_584 : memref<128x2048xf32, #tpu.memory_space<vmem>>) target_semaphore(%arg10 : memref<!tpu.dma_semaphore, #tpu.memory_space<semaphore_mem>>)
    %dma_start3A_589 = arith.constant 3 : i32
    %dma_start3A_590 = arith.constant 384 : i32
    %dma_start3A_591 = arith.constant 0 : i32
    %dma_start3A_592 = tpu.memref_slice %arg4[%dma_start3A_590, %dma_start3A_591] : memref<1024x2048xf32, #tpu.memory_space<vmem>> -> memref<128x2048xf32, #tpu.memory_space<vmem>>
    %dma_start3A_593 = arith.constant 384 : i32
    %dma_start3A_594 = arith.constant 0 : i32
    %dma_start3A_595 = tpu.memref_slice %arg0[%dma_start3A_589, %dma_start3A_593, %dma_start3A_594] : memref<4x1024x2048xf32, #tpu.memory_space<any>> -> memref<1x128x2048xf32, #tpu.memory_space<any>>
    %dma_start3A_596 = tpu.memref_squeeze %dma_start3A_595 : memref<1x128x2048xf32, #tpu.memory_space<any>> -> memref<128x2048xf32, #tpu.memory_space<any>>
    tpu.enqueue_dma source(%dma_start3A_596 : memref<128x2048xf32, #tpu.memory_space<any>>) target(%dma_start3A_592 : memref<128x2048xf32, #tpu.memory_space<vmem>>) target_semaphore(%arg10 : memref<!tpu.dma_semaphore, #tpu.memory_space<semaphore_mem>>)
    %dma_start3A_597 = arith.constant 3 : i32
    %dma_start3A_598 = arith.constant 512 : i32
    %dma_start3A_599 = arith.constant 0 : i32
    %dma_start3A_600 = tpu.memref_slice %arg4[%dma_start3A_598, %dma_start3A_599] : memref<1024x2048xf32, #tpu.memory_space<vmem>> -> memref<128x2048xf32, #tpu.memory_space<vmem>>
    %dma_start3A_601 = arith.constant 512 : i32
    %dma_start3A_602 = arith.constant 0 : i32
    %dma_start3A_603 = tpu.memref_slice %arg0[%dma_start3A_597, %dma_start3A_601, %dma_start3A_602] : memref<4x1024x2048xf32, #tpu.memory_space<any>> -> memref<1x128x2048xf32, #tpu.memory_space<any>>
    %dma_start3A_604 = tpu.memref_squeeze %dma_start3A_603 : memref<1x128x2048xf32, #tpu.memory_space<any>> -> memref<128x2048xf32, #tpu.memory_space<any>>
    tpu.enqueue_dma source(%dma_start3A_604 : memref<128x2048xf32, #tpu.memory_space<any>>) target(%dma_start3A_600 : memref<128x2048xf32, #tpu.memory_space<vmem>>) target_semaphore(%arg10 : memref<!tpu.dma_semaphore, #tpu.memory_space<semaphore_mem>>)
    %dma_start3A_605 = arith.constant 3 : i32
    %dma_start3A_606 = arith.constant 640 : i32
    %dma_start3A_607 = arith.constant 0 : i32
    %dma_start3A_608 = tpu.memref_slice %arg4[%dma_start3A_606, %dma_start3A_607] : memref<1024x2048xf32, #tpu.memory_space<vmem>> -> memref<128x2048xf32, #tpu.memory_space<vmem>>
    %dma_start3A_609 = arith.constant 640 : i32
    %dma_start3A_610 = arith.constant 0 : i32
    %dma_start3A_611 = tpu.memref_slice %arg0[%dma_start3A_605, %dma_start3A_609, %dma_start3A_610] : memref<4x1024x2048xf32, #tpu.memory_space<any>> -> memref<1x128x2048xf32, #tpu.memory_space<any>>
    %dma_start3A_612 = tpu.memref_squeeze %dma_start3A_611 : memref<1x128x2048xf32, #tpu.memory_space<any>> -> memref<128x2048xf32, #tpu.memory_space<any>>
    tpu.enqueue_dma source(%dma_start3A_612 : memref<128x2048xf32, #tpu.memory_space<any>>) target(%dma_start3A_608 : memref<128x2048xf32, #tpu.memory_space<vmem>>) target_semaphore(%arg10 : memref<!tpu.dma_semaphore, #tpu.memory_space<semaphore_mem>>)
    %dma_start3A_613 = arith.constant 3 : i32
    %dma_start3A_614 = arith.constant 768 : i32
    %dma_start3A_615 = arith.constant 0 : i32
    %dma_start3A_616 = tpu.memref_slice %arg4[%dma_start3A_614, %dma_start3A_615] : memref<1024x2048xf32, #tpu.memory_space<vmem>> -> memref<128x2048xf32, #tpu.memory_space<vmem>>
    %dma_start3A_617 = arith.constant 768 : i32
    %dma_start3A_618 = arith.constant 0 : i32
    %dma_start3A_619 = tpu.memref_slice %arg0[%dma_start3A_613, %dma_start3A_617, %dma_start3A_618] : memref<4x1024x2048xf32, #tpu.memory_space<any>> -> memref<1x128x2048xf32, #tpu.memory_space<any>>
    %dma_start3A_620 = tpu.memref_squeeze %dma_start3A_619 : memref<1x128x2048xf32, #tpu.memory_space<any>> -> memref<128x2048xf32, #tpu.memory_space<any>>
    tpu.enqueue_dma source(%dma_start3A_620 : memref<128x2048xf32, #tpu.memory_space<any>>) target(%dma_start3A_616 : memref<128x2048xf32, #tpu.memory_space<vmem>>) target_semaphore(%arg10 : memref<!tpu.dma_semaphore, #tpu.memory_space<semaphore_mem>>)
    %dma_start3A_621 = arith.constant 3 : i32
    %dma_start3A_622 = arith.constant 896 : i32
    %dma_start3A_623 = arith.constant 0 : i32
    %dma_start3A_624 = tpu.memref_slice %arg4[%dma_start3A_622, %dma_start3A_623] : memref<1024x2048xf32, #tpu.memory_space<vmem>> -> memref<128x2048xf32, #tpu.memory_space<vmem>>
    %dma_start3A_625 = arith.constant 896 : i32
    %dma_start3A_626 = arith.constant 0 : i32
    %dma_start3A_627 = tpu.memref_slice %arg0[%dma_start3A_621, %dma_start3A_625, %dma_start3A_626] : memref<4x1024x2048xf32, #tpu.memory_space<any>> -> memref<1x128x2048xf32, #tpu.memory_space<any>>
    %dma_start3A_628 = tpu.memref_squeeze %dma_start3A_627 : memref<1x128x2048xf32, #tpu.memory_space<any>> -> memref<128x2048xf32, #tpu.memory_space<any>>
    tpu.enqueue_dma source(%dma_start3A_628 : memref<128x2048xf32, #tpu.memory_space<any>>) target(%dma_start3A_624 : memref<128x2048xf32, #tpu.memory_space<vmem>>) target_semaphore(%arg10 : memref<!tpu.dma_semaphore, #tpu.memory_space<semaphore_mem>>)
    %dma_wait3A_629 = arith.constant 2 : i32
    %dma_wait3A_630 = arith.constant 0 : i32
    %dma_wait3A_631 = arith.constant 0 : i32
    %dma_wait3A_632 = tpu.memref_slice %arg3[%dma_wait3A_630, %dma_wait3A_631] : memref<1024x2048xf32, #tpu.memory_space<vmem>> -> memref<128x2048xf32, #tpu.memory_space<vmem>>
    %dma_wait3A_633 = arith.constant 0 : i32
    %dma_wait3A_634 = arith.constant 0 : i32
    %dma_wait3A_635 = tpu.memref_slice %arg0[%dma_wait3A_629, %dma_wait3A_633, %dma_wait3A_634] : memref<4x1024x2048xf32, #tpu.memory_space<any>> -> memref<1x128x2048xf32, #tpu.memory_space<any>>
    %dma_wait3A_636 = tpu.memref_squeeze %dma_wait3A_635 : memref<1x128x2048xf32, #tpu.memory_space<any>> -> memref<128x2048xf32, #tpu.memory_space<any>>
    tpu.wait_dma2 semaphore(%arg9 : memref<!tpu.dma_semaphore, #tpu.memory_space<semaphore_mem>>) src(%dma_wait3A_636 : memref<128x2048xf32, #tpu.memory_space<any>>) dst(%dma_wait3A_632 : memref<128x2048xf32, #tpu.memory_space<vmem>>)
    %dma_wait3A_637 = arith.constant 2 : i32
    %dma_wait3A_638 = arith.constant 128 : i32
    %dma_wait3A_639 = arith.constant 0 : i32
    %dma_wait3A_640 = tpu.memref_slice %arg3[%dma_wait3A_638, %dma_wait3A_639] : memref<1024x2048xf32, #tpu.memory_space<vmem>> -> memref<128x2048xf32, #tpu.memory_space<vmem>>
    %dma_wait3A_641 = arith.constant 128 : i32
    %dma_wait3A_642 = arith.constant 0 : i32
    %dma_wait3A_643 = tpu.memref_slice %arg0[%dma_wait3A_637, %dma_wait3A_641, %dma_wait3A_642] : memref<4x1024x2048xf32, #tpu.memory_space<any>> -> memref<1x128x2048xf32, #tpu.memory_space<any>>
    %dma_wait3A_644 = tpu.memref_squeeze %dma_wait3A_643 : memref<1x128x2048xf32, #tpu.memory_space<any>> -> memref<128x2048xf32, #tpu.memory_space<any>>
    tpu.wait_dma2 semaphore(%arg9 : memref<!tpu.dma_semaphore, #tpu.memory_space<semaphore_mem>>) src(%dma_wait3A_644 : memref<128x2048xf32, #tpu.memory_space<any>>) dst(%dma_wait3A_640 : memref<128x2048xf32, #tpu.memory_space<vmem>>)
    %dma_wait3A_645 = arith.constant 2 : i32
    %dma_wait3A_646 = arith.constant 256 : i32
    %dma_wait3A_647 = arith.constant 0 : i32
    %dma_wait3A_648 = tpu.memref_slice %arg3[%dma_wait3A_646, %dma_wait3A_647] : memref<1024x2048xf32, #tpu.memory_space<vmem>> -> memref<128x2048xf32, #tpu.memory_space<vmem>>
    %dma_wait3A_649 = arith.constant 256 : i32
    %dma_wait3A_650 = arith.constant 0 : i32
    %dma_wait3A_651 = tpu.memref_slice %arg0[%dma_wait3A_645, %dma_wait3A_649, %dma_wait3A_650] : memref<4x1024x2048xf32, #tpu.memory_space<any>> -> memref<1x128x2048xf32, #tpu.memory_space<any>>
    %dma_wait3A_652 = tpu.memref_squeeze %dma_wait3A_651 : memref<1x128x2048xf32, #tpu.memory_space<any>> -> memref<128x2048xf32, #tpu.memory_space<any>>
    tpu.wait_dma2 semaphore(%arg9 : memref<!tpu.dma_semaphore, #tpu.memory_space<semaphore_mem>>) src(%dma_wait3A_652 : memref<128x2048xf32, #tpu.memory_space<any>>) dst(%dma_wait3A_648 : memref<128x2048xf32, #tpu.memory_space<vmem>>)
    %dma_wait3A_653 = arith.constant 2 : i32
    %dma_wait3A_654 = arith.constant 384 : i32
    %dma_wait3A_655 = arith.constant 0 : i32
    %dma_wait3A_656 = tpu.memref_slice %arg3[%dma_wait3A_654, %dma_wait3A_655] : memref<1024x2048xf32, #tpu.memory_space<vmem>> -> memref<128x2048xf32, #tpu.memory_space<vmem>>
    %dma_wait3A_657 = arith.constant 384 : i32
    %dma_wait3A_658 = arith.constant 0 : i32
    %dma_wait3A_659 = tpu.memref_slice %arg0[%dma_wait3A_653, %dma_wait3A_657, %dma_wait3A_658] : memref<4x1024x2048xf32, #tpu.memory_space<any>> -> memref<1x128x2048xf32, #tpu.memory_space<any>>
    %dma_wait3A_660 = tpu.memref_squeeze %dma_wait3A_659 : memref<1x128x2048xf32, #tpu.memory_space<any>> -> memref<128x2048xf32, #tpu.memory_space<any>>
    tpu.wait_dma2 semaphore(%arg9 : memref<!tpu.dma_semaphore, #tpu.memory_space<semaphore_mem>>) src(%dma_wait3A_660 : memref<128x2048xf32, #tpu.memory_space<any>>) dst(%dma_wait3A_656 : memref<128x2048xf32, #tpu.memory_space<vmem>>)
    %dma_wait3A_661 = arith.constant 2 : i32
    %dma_wait3A_662 = arith.constant 512 : i32
    %dma_wait3A_663 = arith.constant 0 : i32
    %dma_wait3A_664 = tpu.memref_slice %arg3[%dma_wait3A_662, %dma_wait3A_663] : memref<1024x2048xf32, #tpu.memory_space<vmem>> -> memref<128x2048xf32, #tpu.memory_space<vmem>>
    %dma_wait3A_665 = arith.constant 512 : i32
    %dma_wait3A_666 = arith.constant 0 : i32
    %dma_wait3A_667 = tpu.memref_slice %arg0[%dma_wait3A_661, %dma_wait3A_665, %dma_wait3A_666] : memref<4x1024x2048xf32, #tpu.memory_space<any>> -> memref<1x128x2048xf32, #tpu.memory_space<any>>
    %dma_wait3A_668 = tpu.memref_squeeze %dma_wait3A_667 : memref<1x128x2048xf32, #tpu.memory_space<any>> -> memref<128x2048xf32, #tpu.memory_space<any>>
    tpu.wait_dma2 semaphore(%arg9 : memref<!tpu.dma_semaphore, #tpu.memory_space<semaphore_mem>>) src(%dma_wait3A_668 : memref<128x2048xf32, #tpu.memory_space<any>>) dst(%dma_wait3A_664 : memref<128x2048xf32, #tpu.memory_space<vmem>>)
    %dma_wait3A_669 = arith.constant 2 : i32
    %dma_wait3A_670 = arith.constant 640 : i32
    %dma_wait3A_671 = arith.constant 0 : i32
    %dma_wait3A_672 = tpu.memref_slice %arg3[%dma_wait3A_670, %dma_wait3A_671] : memref<1024x2048xf32, #tpu.memory_space<vmem>> -> memref<128x2048xf32, #tpu.memory_space<vmem>>
    %dma_wait3A_673 = arith.constant 640 : i32
    %dma_wait3A_674 = arith.constant 0 : i32
    %dma_wait3A_675 = tpu.memref_slice %arg0[%dma_wait3A_669, %dma_wait3A_673, %dma_wait3A_674] : memref<4x1024x2048xf32, #tpu.memory_space<any>> -> memref<1x128x2048xf32, #tpu.memory_space<any>>
    %dma_wait3A_676 = tpu.memref_squeeze %dma_wait3A_675 : memref<1x128x2048xf32, #tpu.memory_space<any>> -> memref<128x2048xf32, #tpu.memory_space<any>>
    tpu.wait_dma2 semaphore(%arg9 : memref<!tpu.dma_semaphore, #tpu.memory_space<semaphore_mem>>) src(%dma_wait3A_676 : memref<128x2048xf32, #tpu.memory_space<any>>) dst(%dma_wait3A_672 : memref<128x2048xf32, #tpu.memory_space<vmem>>)
    %dma_wait3A_677 = arith.constant 2 : i32
    %dma_wait3A_678 = arith.constant 768 : i32
    %dma_wait3A_679 = arith.constant 0 : i32
    %dma_wait3A_680 = tpu.memref_slice %arg3[%dma_wait3A_678, %dma_wait3A_679] : memref<1024x2048xf32, #tpu.memory_space<vmem>> -> memref<128x2048xf32, #tpu.memory_space<vmem>>
    %dma_wait3A_681 = arith.constant 768 : i32
    %dma_wait3A_682 = arith.constant 0 : i32
    %dma_wait3A_683 = tpu.memref_slice %arg0[%dma_wait3A_677, %dma_wait3A_681, %dma_wait3A_682] : memref<4x1024x2048xf32, #tpu.memory_space<any>> -> memref<1x128x2048xf32, #tpu.memory_space<any>>
    %dma_wait3A_684 = tpu.memref_squeeze %dma_wait3A_683 : memref<1x128x2048xf32, #tpu.memory_space<any>> -> memref<128x2048xf32, #tpu.memory_space<any>>
    tpu.wait_dma2 semaphore(%arg9 : memref<!tpu.dma_semaphore, #tpu.memory_space<semaphore_mem>>) src(%dma_wait3A_684 : memref<128x2048xf32, #tpu.memory_space<any>>) dst(%dma_wait3A_680 : memref<128x2048xf32, #tpu.memory_space<vmem>>)
    %dma_wait3A_685 = arith.constant 2 : i32
    %dma_wait3A_686 = arith.constant 896 : i32
    %dma_wait3A_687 = arith.constant 0 : i32
    %dma_wait3A_688 = tpu.memref_slice %arg3[%dma_wait3A_686, %dma_wait3A_687] : memref<1024x2048xf32, #tpu.memory_space<vmem>> -> memref<128x2048xf32, #tpu.memory_space<vmem>>
    %dma_wait3A_689 = arith.constant 896 : i32
    %dma_wait3A_690 = arith.constant 0 : i32
    %dma_wait3A_691 = tpu.memref_slice %arg0[%dma_wait3A_685, %dma_wait3A_689, %dma_wait3A_690] : memref<4x1024x2048xf32, #tpu.memory_space<any>> -> memref<1x128x2048xf32, #tpu.memory_space<any>>
    %dma_wait3A_692 = tpu.memref_squeeze %dma_wait3A_691 : memref<1x128x2048xf32, #tpu.memory_space<any>> -> memref<128x2048xf32, #tpu.memory_space<any>>
    tpu.wait_dma2 semaphore(%arg9 : memref<!tpu.dma_semaphore, #tpu.memory_space<semaphore_mem>>) src(%dma_wait3A_692 : memref<128x2048xf32, #tpu.memory_space<any>>) dst(%dma_wait3A_688 : memref<128x2048xf32, #tpu.memory_space<vmem>>)
    %dma_wait3A_693 = arith.constant 512 : i32
    %dma_wait3A_694 = arith.constant 0 : i32
    %dma_wait3A_695 = tpu.memref_slice %arg1[%dma_wait3A_693, %dma_wait3A_694] : memref<6144x1024xf32, #tpu.memory_space<any>> -> memref<128x1024xf32, #tpu.memory_space<any>>
    %dma_wait3A_696 = arith.constant 0 : i32
    %dma_wait3A_697 = arith.constant 0 : i32
    %dma_wait3A_698 = tpu.memref_slice %arg5[%dma_wait3A_696, %dma_wait3A_697] : memref<1024x1024xf32, #tpu.memory_space<vmem>> -> memref<128x1024xf32, #tpu.memory_space<vmem>>
    tpu.wait_dma2 semaphore(%arg11 : memref<!tpu.dma_semaphore, #tpu.memory_space<semaphore_mem>>) src(%dma_wait3A_698 : memref<128x1024xf32, #tpu.memory_space<vmem>>) dst(%dma_wait3A_695 : memref<128x1024xf32, #tpu.memory_space<any>>)
    %dma_wait3A_699 = arith.constant 640 : i32
    %dma_wait3A_700 = arith.constant 0 : i32
    %dma_wait3A_701 = tpu.memref_slice %arg1[%dma_wait3A_699, %dma_wait3A_700] : memref<6144x1024xf32, #tpu.memory_space<any>> -> memref<128x1024xf32, #tpu.memory_space<any>>
    %dma_wait3A_702 = arith.constant 128 : i32
    %dma_wait3A_703 = arith.constant 0 : i32
    %dma_wait3A_704 = tpu.memref_slice %arg5[%dma_wait3A_702, %dma_wait3A_703] : memref<1024x1024xf32, #tpu.memory_space<vmem>> -> memref<128x1024xf32, #tpu.memory_space<vmem>>
    tpu.wait_dma2 semaphore(%arg11 : memref<!tpu.dma_semaphore, #tpu.memory_space<semaphore_mem>>) src(%dma_wait3A_704 : memref<128x1024xf32, #tpu.memory_space<vmem>>) dst(%dma_wait3A_701 : memref<128x1024xf32, #tpu.memory_space<any>>)
    %dma_wait3A_705 = arith.constant 768 : i32
    %dma_wait3A_706 = arith.constant 0 : i32
    %dma_wait3A_707 = tpu.memref_slice %arg1[%dma_wait3A_705, %dma_wait3A_706] : memref<6144x1024xf32, #tpu.memory_space<any>> -> memref<128x1024xf32, #tpu.memory_space<any>>
    %dma_wait3A_708 = arith.constant 256 : i32
    %dma_wait3A_709 = arith.constant 0 : i32
    %dma_wait3A_710 = tpu.memref_slice %arg5[%dma_wait3A_708, %dma_wait3A_709] : memref<1024x1024xf32, #tpu.memory_space<vmem>> -> memref<128x1024xf32, #tpu.memory_space<vmem>>
    tpu.wait_dma2 semaphore(%arg11 : memref<!tpu.dma_semaphore, #tpu.memory_space<semaphore_mem>>) src(%dma_wait3A_710 : memref<128x1024xf32, #tpu.memory_space<vmem>>) dst(%dma_wait3A_707 : memref<128x1024xf32, #tpu.memory_space<any>>)
    %dma_wait3A_711 = arith.constant 896 : i32
    %dma_wait3A_712 = arith.constant 0 : i32
    %dma_wait3A_713 = tpu.memref_slice %arg1[%dma_wait3A_711, %dma_wait3A_712] : memref<6144x1024xf32, #tpu.memory_space<any>> -> memref<128x1024xf32, #tpu.memory_space<any>>
    %dma_wait3A_714 = arith.constant 384 : i32
    %dma_wait3A_715 = arith.constant 0 : i32
    %dma_wait3A_716 = tpu.memref_slice %arg5[%dma_wait3A_714, %dma_wait3A_715] : memref<1024x1024xf32, #tpu.memory_space<vmem>> -> memref<128x1024xf32, #tpu.memory_space<vmem>>
    tpu.wait_dma2 semaphore(%arg11 : memref<!tpu.dma_semaphore, #tpu.memory_space<semaphore_mem>>) src(%dma_wait3A_716 : memref<128x1024xf32, #tpu.memory_space<vmem>>) dst(%dma_wait3A_713 : memref<128x1024xf32, #tpu.memory_space<any>>)
    %dma_wait3A_717 = arith.constant 1024 : i32
    %dma_wait3A_718 = arith.constant 0 : i32
    %dma_wait3A_719 = tpu.memref_slice %arg1[%dma_wait3A_717, %dma_wait3A_718] : memref<6144x1024xf32, #tpu.memory_space<any>> -> memref<128x1024xf32, #tpu.memory_space<any>>
    %dma_wait3A_720 = arith.constant 512 : i32
    %dma_wait3A_721 = arith.constant 0 : i32
    %dma_wait3A_722 = tpu.memref_slice %arg5[%dma_wait3A_720, %dma_wait3A_721] : memref<1024x1024xf32, #tpu.memory_space<vmem>> -> memref<128x1024xf32, #tpu.memory_space<vmem>>
    tpu.wait_dma2 semaphore(%arg11 : memref<!tpu.dma_semaphore, #tpu.memory_space<semaphore_mem>>) src(%dma_wait3A_722 : memref<128x1024xf32, #tpu.memory_space<vmem>>) dst(%dma_wait3A_719 : memref<128x1024xf32, #tpu.memory_space<any>>)
    %dma_wait3A_723 = arith.constant 1152 : i32
    %dma_wait3A_724 = arith.constant 0 : i32
    %dma_wait3A_725 = tpu.memref_slice %arg1[%dma_wait3A_723, %dma_wait3A_724] : memref<6144x1024xf32, #tpu.memory_space<any>> -> memref<128x1024xf32, #tpu.memory_space<any>>
    %dma_wait3A_726 = arith.constant 640 : i32
    %dma_wait3A_727 = arith.constant 0 : i32
    %dma_wait3A_728 = tpu.memref_slice %arg5[%dma_wait3A_726, %dma_wait3A_727] : memref<1024x1024xf32, #tpu.memory_space<vmem>> -> memref<128x1024xf32, #tpu.memory_space<vmem>>
    tpu.wait_dma2 semaphore(%arg11 : memref<!tpu.dma_semaphore, #tpu.memory_space<semaphore_mem>>) src(%dma_wait3A_728 : memref<128x1024xf32, #tpu.memory_space<vmem>>) dst(%dma_wait3A_725 : memref<128x1024xf32, #tpu.memory_space<any>>)
    %dma_wait3A_729 = arith.constant 1280 : i32
    %dma_wait3A_730 = arith.constant 0 : i32
    %dma_wait3A_731 = tpu.memref_slice %arg1[%dma_wait3A_729, %dma_wait3A_730] : memref<6144x1024xf32, #tpu.memory_space<any>> -> memref<128x1024xf32, #tpu.memory_space<any>>
    %dma_wait3A_732 = arith.constant 768 : i32
    %dma_wait3A_733 = arith.constant 0 : i32
    %dma_wait3A_734 = tpu.memref_slice %arg5[%dma_wait3A_732, %dma_wait3A_733] : memref<1024x1024xf32, #tpu.memory_space<vmem>> -> memref<128x1024xf32, #tpu.memory_space<vmem>>
    tpu.wait_dma2 semaphore(%arg11 : memref<!tpu.dma_semaphore, #tpu.memory_space<semaphore_mem>>) src(%dma_wait3A_734 : memref<128x1024xf32, #tpu.memory_space<vmem>>) dst(%dma_wait3A_731 : memref<128x1024xf32, #tpu.memory_space<any>>)
    %dma_wait3A_735 = arith.constant 1408 : i32
    %dma_wait3A_736 = arith.constant 0 : i32
    %dma_wait3A_737 = tpu.memref_slice %arg1[%dma_wait3A_735, %dma_wait3A_736] : memref<6144x1024xf32, #tpu.memory_space<any>> -> memref<128x1024xf32, #tpu.memory_space<any>>
    %dma_wait3A_738 = arith.constant 896 : i32
    %dma_wait3A_739 = arith.constant 0 : i32
    %dma_wait3A_740 = tpu.memref_slice %arg5[%dma_wait3A_738, %dma_wait3A_739] : memref<1024x1024xf32, #tpu.memory_space<vmem>> -> memref<128x1024xf32, #tpu.memory_space<vmem>>
    tpu.wait_dma2 semaphore(%arg11 : memref<!tpu.dma_semaphore, #tpu.memory_space<semaphore_mem>>) src(%dma_wait3A_740 : memref<128x1024xf32, #tpu.memory_space<vmem>>) dst(%dma_wait3A_737 : memref<128x1024xf32, #tpu.memory_space<any>>)
    %dma_wait3A_741 = arith.constant 0 : i32
    %dma_wait3A_742 = arith.constant 0 : i32
    %dma_wait3A_743 = arith.constant 0 : i32
    %dma_wait3A_744 = tpu.memref_slice %arg2[%dma_wait3A_741, %dma_wait3A_742, %dma_wait3A_743] : memref<4x1x1024xi32, #tpu.memory_space<any>> -> memref<1x1x1024xi32, #tpu.memory_space<any>>
    %dma_wait3A_745 = tpu.memref_squeeze %dma_wait3A_744 : memref<1x1x1024xi32, #tpu.memory_space<any>> -> memref<1x1024xi32, #tpu.memory_space<any>>
    tpu.wait_dma2 semaphore(%arg13 : memref<!tpu.dma_semaphore, #tpu.memory_space<semaphore_mem>>) src(%arg7 : memref<1x1024xi32, #tpu.memory_space<vmem>>) dst(%dma_wait3A_745 : memref<1x1024xi32, #tpu.memory_space<any>>)
    %get3A_746 = arith.constant 0 : index
    %get3A_747 = arith.constant 0 : index
    %get3A_748 = vector.load %arg3[%get3A_746, %get3A_747] : memref<1024x2048xf32, #tpu.memory_space<vmem>>, vector<1024x2048xf32>
    %slice3A_749 = vector.extract_strided_slice %get3A_748 {offsets = [0, 0], sizes = [1024, 1024], strides = [1, 1]} : vector<1024x2048xf32> to vector<1024x1024xf32>
    %slice3A_750 = vector.extract_strided_slice %get3A_748 {offsets = [0, 1024], sizes = [1024, 1024], strides = [1, 1]} : vector<1024x2048xf32> to vector<1024x1024xf32>
    %dot_general3A_751 = arith.constant dense<0.000000e+00> : vector<1024x1024xf32>
    %dot_general3A_752 = tpu.matmul %slice3A_749, %slice3A_750, %dot_general3A_751 {dimension_numbers = #tpu.dot_dimension_numbers<[1], [1], [0], [0], [0, 0, 1, 0], [], []>, transpose_lhs_hint = false} : vector<1024x1024xf32>, vector<1024x1024xf32>, vector<1024x1024xf32> -> vector<1024x1024xf32>
    %iota3A_753 = tpu.iota {dimensions = array<i32: 1>} : vector<1024x1024xi32>
    %iota3A_754 = tpu.iota {dimensions = array<i32: 0>} : vector<1024x1024xi32>
    %reduce_max3A_755 = arith.constant dense<0xFF800000> : vector<1024xf32>
    %reduce_max3A_756 = vector.multi_reduction <maximumf>, %dot_general3A_752, %reduce_max3A_755 [1] : vector<1024x1024xf32> to vector<1024xf32>
    %broadcast_in_dim3A_757 = vector.shape_cast %reduce_max3A_756 : vector<1024xf32> to vector<1024x1xf32>
    %transpose3A_758 = tpu.transpose %broadcast_in_dim3A_757, [1, 0] : vector<1024x1xf32> -> vector<1x1024xf32>
    %eq3A_759 = vector.broadcast %broadcast_in_dim3A_757 : vector<1024x1xf32> to vector<1024x1024xf32>
    %eq3A_760 = arith.cmpf oeq, %dot_general3A_752, %eq3A_759 : vector<1024x1024xf32>
    %jit3A_761 = arith.constant 1024 : i32
    %broadcast_in_dim3A_762 = vector.broadcast %jit3A_761 : i32 to vector<1024x1024xi32>
    %select_n3A_763 = arith.select %eq3A_760, %iota3A_753, %broadcast_in_dim3A_762 : vector<1024x1024xi1>, vector<1024x1024xi32>
    %reduce_min3A_764 = arith.constant dense<2147483647> : vector<1024xi32>
    %reduce_min3A_765 = vector.multi_reduction <minsi>, %select_n3A_763, %reduce_min3A_764 [1] : vector<1024x1024xi32> to vector<1024xi32>
    %broadcast_in_dim3A_766 = vector.shape_cast %reduce_min3A_765 : vector<1024xi32> to vector<1024x1xi32>
    %transpose3A_767 = tpu.transpose %broadcast_in_dim3A_766, [1, 0] : vector<1024x1xi32> -> vector<1x1024xi32>
    %gt3A_768 = vector.broadcast %transpose3A_758 : vector<1x1024xf32> to vector<1024x1024xf32>
    %gt3A_769 = vector.broadcast %broadcast_in_dim3A_757 : vector<1024x1xf32> to vector<1024x1024xf32>
    %gt3A_770 = arith.cmpf ogt, %gt3A_768, %gt3A_769 : vector<1024x1024xf32>
    %eq3A_771 = vector.broadcast %transpose3A_758 : vector<1x1024xf32> to vector<1024x1024xf32>
    %eq3A_772 = vector.broadcast %broadcast_in_dim3A_757 : vector<1024x1xf32> to vector<1024x1024xf32>
    %eq3A_773 = arith.cmpf oeq, %eq3A_771, %eq3A_772 : vector<1024x1024xf32>
    %lt3A_774 = arith.cmpi slt, %iota3A_753, %iota3A_754 : vector<1024x1024xi32>
    %and3A_775 = arith.andi %eq3A_773, %lt3A_774 : vector<1024x1024xi1>
    %or3A_776 = arith.ori %gt3A_770, %and3A_775 : vector<1024x1024xi1>
    %convert_element_type3A_777 = arith.extui %or3A_776 : vector<1024x1024xi1> to vector<1024x1024xi32>
    %reduce_sum3A_778 = arith.constant dense<0> : vector<1024xi32>
    %reduce_sum3A_779 = vector.multi_reduction <add>, %convert_element_type3A_777, %reduce_sum3A_778 [1] : vector<1024x1024xi32> to vector<1024xi32>
    %broadcast_in_dim3A_780 = vector.shape_cast %reduce_sum3A_779 : vector<1024xi32> to vector<1024x1xi32>
    %transpose3A_781 = tpu.transpose %broadcast_in_dim3A_780, [1, 0] : vector<1024x1xi32> -> vector<1x1024xi32>
    %lt3A_782 = arith.constant 512 : i32
    %lt3A_783 = vector.broadcast %lt3A_782 : i32 to vector<1x1024xi32>
    %lt3A_784 = arith.cmpi slt, %transpose3A_781, %lt3A_783 : vector<1x1024xi32>
    %eq3A_785 = vector.broadcast %transpose3A_767 : vector<1x1024xi32> to vector<1024x1024xi32>
    %eq3A_786 = arith.cmpi eq, %eq3A_785, %iota3A_754 : vector<1024x1024xi32>
    %and3A_787 = vector.broadcast %lt3A_784 : vector<1x1024xi1> to vector<1024x1024xi1>
    %and3A_788 = arith.andi %eq3A_786, %and3A_787 : vector<1024x1024xi1>
    %convert_element_type3A_789 = arith.extui %and3A_788 : vector<1024x1024xi1> to vector<1024x1024xi32>
    %convert_element_type3A_790 = arith.sitofp %convert_element_type3A_789 : vector<1024x1024xi32> to vector<1024x1024xf32>
    %convert_element_type3A_791 = arith.truncf %convert_element_type3A_790 : vector<1024x1024xf32> to vector<1024x1024xbf16>
    %convert_element_type3A_792 = arith.truncf %slice3A_749 : vector<1024x1024xf32> to vector<1024x1024xbf16>
    %dot_general3A_793 = arith.constant dense<0.000000e+00> : vector<1024x1024xf32>
    %dot_general3A_794 = tpu.matmul %convert_element_type3A_791, %convert_element_type3A_792, %dot_general3A_793 {dimension_numbers = #tpu.dot_dimension_numbers<[1], [0], [0], [1], [0, 0, 1, 1], [], []>, transpose_lhs_hint = false} : vector<1024x1024xbf16>, vector<1024x1024xbf16>, vector<1024x1024xf32> -> vector<1024x1024xf32>
    %reduce_sum3A_795 = arith.constant dense<0.000000e+00> : vector<1024xf32>
    %reduce_sum3A_796 = vector.multi_reduction <add>, %convert_element_type3A_790, %reduce_sum3A_795 [1] : vector<1024x1024xf32> to vector<1024xf32>
    %broadcast_in_dim3A_797 = vector.shape_cast %reduce_sum3A_796 : vector<1024xf32> to vector<1024x1xf32>
    %add3A_798 = arith.constant 1.000000e+00 : f32
    %add3A_799 = vector.broadcast %add3A_798 : f32 to vector<1024x1xf32>
    %add3A_800 = arith.addf %add3A_799, %broadcast_in_dim3A_797 : vector<1024x1xf32>
    %add3A_801 = arith.addf %slice3A_750, %dot_general3A_794 : vector<1024x1024xf32>
    %div3A_802 = arith.constant 1.000000e+00 : f32
    %div3A_803 = vector.broadcast %div3A_802 : f32 to vector<1024x1xf32>
    %div3A_804 = arith.divf %div3A_803, %add3A_800 : vector<1024x1xf32>
    %mul3A_805 = vector.broadcast %div3A_804 : vector<1024x1xf32> to vector<1024x1024xf32>
    %mul3A_806 = arith.mulf %add3A_801, %mul3A_805 : vector<1024x1024xf32>
    %swap3A_807 = arith.constant 0 : index
    %swap3A_808 = arith.constant 0 : index
    %swap3A_809 = vector.load %arg5[%swap3A_807, %swap3A_808] : memref<1024x1024xf32, #tpu.memory_space<vmem>>, vector<1024x1024xf32>
    tpu.vector_store %arg5[%swap3A_807, %swap3A_808], %mul3A_806 {strides = array<i32>} : memref<1024x1024xf32, #tpu.memory_space<vmem>>, vector<1024x1024xf32>,
    %eq3A_810 = vector.broadcast %broadcast_in_dim3A_780 : vector<1024x1xi32> to vector<1024x1024xi32>
    %eq3A_811 = arith.cmpi eq, %eq3A_810, %iota3A_753 : vector<1024x1024xi32>
    %jit3A_812 = arith.constant 0 : i32
    %broadcast_in_dim3A_813 = vector.broadcast %jit3A_812 : i32 to vector<1024x1024xi32>
    %select_n3A_814 = arith.select %eq3A_811, %iota3A_754, %broadcast_in_dim3A_813 : vector<1024x1024xi1>, vector<1024x1024xi32>
    %reduce_sum3A_815 = arith.constant dense<0> : vector<1024xi32>
    %reduce_sum3A_816 = vector.multi_reduction <add>, %select_n3A_814, %reduce_sum3A_815 [0] : vector<1024x1024xi32> to vector<1024xi32>
    %broadcast_in_dim3A_817 = vector.shape_cast %reduce_sum3A_816 : vector<1024xi32> to vector<1x1024xi32>
    %mul3A_818 = arith.constant 2 : i32
    %mul3A_819 = vector.broadcast %mul3A_818 : i32 to vector<1x1024xi32>
    %mul3A_820 = arith.muli %mul3A_819, %broadcast_in_dim3A_817 : vector<1x1024xi32>
    %add3A_821 = arith.constant 4096 : i32
    %add3A_822 = vector.broadcast %add3A_821 : i32 to vector<1x1024xi32>
    %add3A_823 = arith.addi %add3A_822, %mul3A_820 : vector<1x1024xi32>
    %swap3A_824 = arith.constant 0 : index
    %swap3A_825 = arith.constant 0 : index
    %swap3A_826 = vector.load %arg7[%swap3A_824, %swap3A_825] : memref<1x1024xi32, #tpu.memory_space<vmem>>, vector<1x1024xi32>
    tpu.vector_store %arg7[%swap3A_824, %swap3A_825], %add3A_823 {strides = array<i32>} : memref<1x1024xi32, #tpu.memory_space<vmem>>, vector<1x1024xi32>,
    %dma_start3A_827 = arith.constant 3584 : i32
    %dma_start3A_828 = arith.constant 0 : i32
    %dma_start3A_829 = tpu.memref_slice %arg1[%dma_start3A_827, %dma_start3A_828] : memref<6144x1024xf32, #tpu.memory_space<any>> -> memref<128x1024xf32, #tpu.memory_space<any>>
    %dma_start3A_830 = arith.constant 0 : i32
    %dma_start3A_831 = arith.constant 0 : i32
    %dma_start3A_832 = tpu.memref_slice %arg5[%dma_start3A_830, %dma_start3A_831] : memref<1024x1024xf32, #tpu.memory_space<vmem>> -> memref<128x1024xf32, #tpu.memory_space<vmem>>
    tpu.enqueue_dma source(%dma_start3A_832 : memref<128x1024xf32, #tpu.memory_space<vmem>>) target(%dma_start3A_829 : memref<128x1024xf32, #tpu.memory_space<any>>) target_semaphore(%arg11 : memref<!tpu.dma_semaphore, #tpu.memory_space<semaphore_mem>>)
    %dma_start3A_833 = arith.constant 3712 : i32
    %dma_start3A_834 = arith.constant 0 : i32
    %dma_start3A_835 = tpu.memref_slice %arg1[%dma_start3A_833, %dma_start3A_834] : memref<6144x1024xf32, #tpu.memory_space<any>> -> memref<128x1024xf32, #tpu.memory_space<any>>
    %dma_start3A_836 = arith.constant 128 : i32
    %dma_start3A_837 = arith.constant 0 : i32
    %dma_start3A_838 = tpu.memref_slice %arg5[%dma_start3A_836, %dma_start3A_837] : memref<1024x1024xf32, #tpu.memory_space<vmem>> -> memref<128x1024xf32, #tpu.memory_space<vmem>>
    tpu.enqueue_dma source(%dma_start3A_838 : memref<128x1024xf32, #tpu.memory_space<vmem>>) target(%dma_start3A_835 : memref<128x1024xf32, #tpu.memory_space<any>>) target_semaphore(%arg11 : memref<!tpu.dma_semaphore, #tpu.memory_space<semaphore_mem>>)
    %dma_start3A_839 = arith.constant 3840 : i32
    %dma_start3A_840 = arith.constant 0 : i32
    %dma_start3A_841 = tpu.memref_slice %arg1[%dma_start3A_839, %dma_start3A_840] : memref<6144x1024xf32, #tpu.memory_space<any>> -> memref<128x1024xf32, #tpu.memory_space<any>>
    %dma_start3A_842 = arith.constant 256 : i32
    %dma_start3A_843 = arith.constant 0 : i32
    %dma_start3A_844 = tpu.memref_slice %arg5[%dma_start3A_842, %dma_start3A_843] : memref<1024x1024xf32, #tpu.memory_space<vmem>> -> memref<128x1024xf32, #tpu.memory_space<vmem>>
    tpu.enqueue_dma source(%dma_start3A_844 : memref<128x1024xf32, #tpu.memory_space<vmem>>) target(%dma_start3A_841 : memref<128x1024xf32, #tpu.memory_space<any>>) target_semaphore(%arg11 : memref<!tpu.dma_semaphore, #tpu.memory_space<semaphore_mem>>)
    %dma_start3A_845 = arith.constant 3968 : i32
    %dma_start3A_846 = arith.constant 0 : i32
    %dma_start3A_847 = tpu.memref_slice %arg1[%dma_start3A_845, %dma_start3A_846] : memref<6144x1024xf32, #tpu.memory_space<any>> -> memref<128x1024xf32, #tpu.memory_space<any>>
    %dma_start3A_848 = arith.constant 384 : i32
    %dma_start3A_849 = arith.constant 0 : i32
    %dma_start3A_850 = tpu.memref_slice %arg5[%dma_start3A_848, %dma_start3A_849] : memref<1024x1024xf32, #tpu.memory_space<vmem>> -> memref<128x1024xf32, #tpu.memory_space<vmem>>
    tpu.enqueue_dma source(%dma_start3A_850 : memref<128x1024xf32, #tpu.memory_space<vmem>>) target(%dma_start3A_847 : memref<128x1024xf32, #tpu.memory_space<any>>) target_semaphore(%arg11 : memref<!tpu.dma_semaphore, #tpu.memory_space<semaphore_mem>>)
    %dma_start3A_851 = arith.constant 4096 : i32
    %dma_start3A_852 = arith.constant 0 : i32
    %dma_start3A_853 = tpu.memref_slice %arg1[%dma_start3A_851, %dma_start3A_852] : memref<6144x1024xf32, #tpu.memory_space<any>> -> memref<128x1024xf32, #tpu.memory_space<any>>
    %dma_start3A_854 = arith.constant 512 : i32
    %dma_start3A_855 = arith.constant 0 : i32
    %dma_start3A_856 = tpu.memref_slice %arg5[%dma_start3A_854, %dma_start3A_855] : memref<1024x1024xf32, #tpu.memory_space<vmem>> -> memref<128x1024xf32, #tpu.memory_space<vmem>>
    tpu.enqueue_dma source(%dma_start3A_856 : memref<128x1024xf32, #tpu.memory_space<vmem>>) target(%dma_start3A_853 : memref<128x1024xf32, #tpu.memory_space<any>>) target_semaphore(%arg11 : memref<!tpu.dma_semaphore, #tpu.memory_space<semaphore_mem>>)
    %dma_start3A_857 = arith.constant 4224 : i32
    %dma_start3A_858 = arith.constant 0 : i32
    %dma_start3A_859 = tpu.memref_slice %arg1[%dma_start3A_857, %dma_start3A_858] : memref<6144x1024xf32, #tpu.memory_space<any>> -> memref<128x1024xf32, #tpu.memory_space<any>>
    %dma_start3A_860 = arith.constant 640 : i32
    %dma_start3A_861 = arith.constant 0 : i32
    %dma_start3A_862 = tpu.memref_slice %arg5[%dma_start3A_860, %dma_start3A_861] : memref<1024x1024xf32, #tpu.memory_space<vmem>> -> memref<128x1024xf32, #tpu.memory_space<vmem>>
    tpu.enqueue_dma source(%dma_start3A_862 : memref<128x1024xf32, #tpu.memory_space<vmem>>) target(%dma_start3A_859 : memref<128x1024xf32, #tpu.memory_space<any>>) target_semaphore(%arg11 : memref<!tpu.dma_semaphore, #tpu.memory_space<semaphore_mem>>)
    %dma_start3A_863 = arith.constant 4352 : i32
    %dma_start3A_864 = arith.constant 0 : i32
    %dma_start3A_865 = tpu.memref_slice %arg1[%dma_start3A_863, %dma_start3A_864] : memref<6144x1024xf32, #tpu.memory_space<any>> -> memref<128x1024xf32, #tpu.memory_space<any>>
    %dma_start3A_866 = arith.constant 768 : i32
    %dma_start3A_867 = arith.constant 0 : i32
    %dma_start3A_868 = tpu.memref_slice %arg5[%dma_start3A_866, %dma_start3A_867] : memref<1024x1024xf32, #tpu.memory_space<vmem>> -> memref<128x1024xf32, #tpu.memory_space<vmem>>
    tpu.enqueue_dma source(%dma_start3A_868 : memref<128x1024xf32, #tpu.memory_space<vmem>>) target(%dma_start3A_865 : memref<128x1024xf32, #tpu.memory_space<any>>) target_semaphore(%arg11 : memref<!tpu.dma_semaphore, #tpu.memory_space<semaphore_mem>>)
    %dma_start3A_869 = arith.constant 4480 : i32
    %dma_start3A_870 = arith.constant 0 : i32
    %dma_start3A_871 = tpu.memref_slice %arg1[%dma_start3A_869, %dma_start3A_870] : memref<6144x1024xf32, #tpu.memory_space<any>> -> memref<128x1024xf32, #tpu.memory_space<any>>
    %dma_start3A_872 = arith.constant 896 : i32
    %dma_start3A_873 = arith.constant 0 : i32
    %dma_start3A_874 = tpu.memref_slice %arg5[%dma_start3A_872, %dma_start3A_873] : memref<1024x1024xf32, #tpu.memory_space<vmem>> -> memref<128x1024xf32, #tpu.memory_space<vmem>>
    tpu.enqueue_dma source(%dma_start3A_874 : memref<128x1024xf32, #tpu.memory_space<vmem>>) target(%dma_start3A_871 : memref<128x1024xf32, #tpu.memory_space<any>>) target_semaphore(%arg11 : memref<!tpu.dma_semaphore, #tpu.memory_space<semaphore_mem>>)
    %dma_start3A_875 = arith.constant 2 : i32
    %dma_start3A_876 = arith.constant 0 : i32
    %dma_start3A_877 = arith.constant 0 : i32
    %dma_start3A_878 = tpu.memref_slice %arg2[%dma_start3A_875, %dma_start3A_876, %dma_start3A_877] : memref<4x1x1024xi32, #tpu.memory_space<any>> -> memref<1x1x1024xi32, #tpu.memory_space<any>>
    %dma_start3A_879 = tpu.memref_squeeze %dma_start3A_878 : memref<1x1x1024xi32, #tpu.memory_space<any>> -> memref<1x1024xi32, #tpu.memory_space<any>>
    tpu.enqueue_dma source(%arg7 : memref<1x1024xi32, #tpu.memory_space<vmem>>) target(%dma_start3A_879 : memref<1x1024xi32, #tpu.memory_space<any>>) target_semaphore(%arg13 : memref<!tpu.dma_semaphore, #tpu.memory_space<semaphore_mem>>)
    %dma_wait3A_880 = arith.constant 3 : i32
    %dma_wait3A_881 = arith.constant 0 : i32
    %dma_wait3A_882 = arith.constant 0 : i32
    %dma_wait3A_883 = tpu.memref_slice %arg4[%dma_wait3A_881, %dma_wait3A_882] : memref<1024x2048xf32, #tpu.memory_space<vmem>> -> memref<128x2048xf32, #tpu.memory_space<vmem>>
    %dma_wait3A_884 = arith.constant 0 : i32
    %dma_wait3A_885 = arith.constant 0 : i32
    %dma_wait3A_886 = tpu.memref_slice %arg0[%dma_wait3A_880, %dma_wait3A_884, %dma_wait3A_885] : memref<4x1024x2048xf32, #tpu.memory_space<any>> -> memref<1x128x2048xf32, #tpu.memory_space<any>>
    %dma_wait3A_887 = tpu.memref_squeeze %dma_wait3A_886 : memref<1x128x2048xf32, #tpu.memory_space<any>> -> memref<128x2048xf32, #tpu.memory_space<any>>
    tpu.wait_dma2 semaphore(%arg10 : memref<!tpu.dma_semaphore, #tpu.memory_space<semaphore_mem>>) src(%dma_wait3A_887 : memref<128x2048xf32, #tpu.memory_space<any>>) dst(%dma_wait3A_883 : memref<128x2048xf32, #tpu.memory_space<vmem>>)
    %dma_wait3A_888 = arith.constant 3 : i32
    %dma_wait3A_889 = arith.constant 128 : i32
    %dma_wait3A_890 = arith.constant 0 : i32
    %dma_wait3A_891 = tpu.memref_slice %arg4[%dma_wait3A_889, %dma_wait3A_890] : memref<1024x2048xf32, #tpu.memory_space<vmem>> -> memref<128x2048xf32, #tpu.memory_space<vmem>>
    %dma_wait3A_892 = arith.constant 128 : i32
    %dma_wait3A_893 = arith.constant 0 : i32
    %dma_wait3A_894 = tpu.memref_slice %arg0[%dma_wait3A_888, %dma_wait3A_892, %dma_wait3A_893] : memref<4x1024x2048xf32, #tpu.memory_space<any>> -> memref<1x128x2048xf32, #tpu.memory_space<any>>
    %dma_wait3A_895 = tpu.memref_squeeze %dma_wait3A_894 : memref<1x128x2048xf32, #tpu.memory_space<any>> -> memref<128x2048xf32, #tpu.memory_space<any>>
    tpu.wait_dma2 semaphore(%arg10 : memref<!tpu.dma_semaphore, #tpu.memory_space<semaphore_mem>>) src(%dma_wait3A_895 : memref<128x2048xf32, #tpu.memory_space<any>>) dst(%dma_wait3A_891 : memref<128x2048xf32, #tpu.memory_space<vmem>>)
    %dma_wait3A_896 = arith.constant 3 : i32
    %dma_wait3A_897 = arith.constant 256 : i32
    %dma_wait3A_898 = arith.constant 0 : i32
    %dma_wait3A_899 = tpu.memref_slice %arg4[%dma_wait3A_897, %dma_wait3A_898] : memref<1024x2048xf32, #tpu.memory_space<vmem>> -> memref<128x2048xf32, #tpu.memory_space<vmem>>
    %dma_wait3A_900 = arith.constant 256 : i32
    %dma_wait3A_901 = arith.constant 0 : i32
    %dma_wait3A_902 = tpu.memref_slice %arg0[%dma_wait3A_896, %dma_wait3A_900, %dma_wait3A_901] : memref<4x1024x2048xf32, #tpu.memory_space<any>> -> memref<1x128x2048xf32, #tpu.memory_space<any>>
    %dma_wait3A_903 = tpu.memref_squeeze %dma_wait3A_902 : memref<1x128x2048xf32, #tpu.memory_space<any>> -> memref<128x2048xf32, #tpu.memory_space<any>>
    tpu.wait_dma2 semaphore(%arg10 : memref<!tpu.dma_semaphore, #tpu.memory_space<semaphore_mem>>) src(%dma_wait3A_903 : memref<128x2048xf32, #tpu.memory_space<any>>) dst(%dma_wait3A_899 : memref<128x2048xf32, #tpu.memory_space<vmem>>)
    %dma_wait3A_904 = arith.constant 3 : i32
    %dma_wait3A_905 = arith.constant 384 : i32
    %dma_wait3A_906 = arith.constant 0 : i32
    %dma_wait3A_907 = tpu.memref_slice %arg4[%dma_wait3A_905, %dma_wait3A_906] : memref<1024x2048xf32, #tpu.memory_space<vmem>> -> memref<128x2048xf32, #tpu.memory_space<vmem>>
    %dma_wait3A_908 = arith.constant 384 : i32
    %dma_wait3A_909 = arith.constant 0 : i32
    %dma_wait3A_910 = tpu.memref_slice %arg0[%dma_wait3A_904, %dma_wait3A_908, %dma_wait3A_909] : memref<4x1024x2048xf32, #tpu.memory_space<any>> -> memref<1x128x2048xf32, #tpu.memory_space<any>>
    %dma_wait3A_911 = tpu.memref_squeeze %dma_wait3A_910 : memref<1x128x2048xf32, #tpu.memory_space<any>> -> memref<128x2048xf32, #tpu.memory_space<any>>
    tpu.wait_dma2 semaphore(%arg10 : memref<!tpu.dma_semaphore, #tpu.memory_space<semaphore_mem>>) src(%dma_wait3A_911 : memref<128x2048xf32, #tpu.memory_space<any>>) dst(%dma_wait3A_907 : memref<128x2048xf32, #tpu.memory_space<vmem>>)
    %dma_wait3A_912 = arith.constant 3 : i32
    %dma_wait3A_913 = arith.constant 512 : i32
    %dma_wait3A_914 = arith.constant 0 : i32
    %dma_wait3A_915 = tpu.memref_slice %arg4[%dma_wait3A_913, %dma_wait3A_914] : memref<1024x2048xf32, #tpu.memory_space<vmem>> -> memref<128x2048xf32, #tpu.memory_space<vmem>>
    %dma_wait3A_916 = arith.constant 512 : i32
    %dma_wait3A_917 = arith.constant 0 : i32
    %dma_wait3A_918 = tpu.memref_slice %arg0[%dma_wait3A_912, %dma_wait3A_916, %dma_wait3A_917] : memref<4x1024x2048xf32, #tpu.memory_space<any>> -> memref<1x128x2048xf32, #tpu.memory_space<any>>
    %dma_wait3A_919 = tpu.memref_squeeze %dma_wait3A_918 : memref<1x128x2048xf32, #tpu.memory_space<any>> -> memref<128x2048xf32, #tpu.memory_space<any>>
    tpu.wait_dma2 semaphore(%arg10 : memref<!tpu.dma_semaphore, #tpu.memory_space<semaphore_mem>>) src(%dma_wait3A_919 : memref<128x2048xf32, #tpu.memory_space<any>>) dst(%dma_wait3A_915 : memref<128x2048xf32, #tpu.memory_space<vmem>>)
    %dma_wait3A_920 = arith.constant 3 : i32
    %dma_wait3A_921 = arith.constant 640 : i32
    %dma_wait3A_922 = arith.constant 0 : i32
    %dma_wait3A_923 = tpu.memref_slice %arg4[%dma_wait3A_921, %dma_wait3A_922] : memref<1024x2048xf32, #tpu.memory_space<vmem>> -> memref<128x2048xf32, #tpu.memory_space<vmem>>
    %dma_wait3A_924 = arith.constant 640 : i32
    %dma_wait3A_925 = arith.constant 0 : i32
    %dma_wait3A_926 = tpu.memref_slice %arg0[%dma_wait3A_920, %dma_wait3A_924, %dma_wait3A_925] : memref<4x1024x2048xf32, #tpu.memory_space<any>> -> memref<1x128x2048xf32, #tpu.memory_space<any>>
    %dma_wait3A_927 = tpu.memref_squeeze %dma_wait3A_926 : memref<1x128x2048xf32, #tpu.memory_space<any>> -> memref<128x2048xf32, #tpu.memory_space<any>>
    tpu.wait_dma2 semaphore(%arg10 : memref<!tpu.dma_semaphore, #tpu.memory_space<semaphore_mem>>) src(%dma_wait3A_927 : memref<128x2048xf32, #tpu.memory_space<any>>) dst(%dma_wait3A_923 : memref<128x2048xf32, #tpu.memory_space<vmem>>)
    %dma_wait3A_928 = arith.constant 3 : i32
    %dma_wait3A_929 = arith.constant 768 : i32
    %dma_wait3A_930 = arith.constant 0 : i32
    %dma_wait3A_931 = tpu.memref_slice %arg4[%dma_wait3A_929, %dma_wait3A_930] : memref<1024x2048xf32, #tpu.memory_space<vmem>> -> memref<128x2048xf32, #tpu.memory_space<vmem>>
    %dma_wait3A_932 = arith.constant 768 : i32
    %dma_wait3A_933 = arith.constant 0 : i32
    %dma_wait3A_934 = tpu.memref_slice %arg0[%dma_wait3A_928, %dma_wait3A_932, %dma_wait3A_933] : memref<4x1024x2048xf32, #tpu.memory_space<any>> -> memref<1x128x2048xf32, #tpu.memory_space<any>>
    %dma_wait3A_935 = tpu.memref_squeeze %dma_wait3A_934 : memref<1x128x2048xf32, #tpu.memory_space<any>> -> memref<128x2048xf32, #tpu.memory_space<any>>
    tpu.wait_dma2 semaphore(%arg10 : memref<!tpu.dma_semaphore, #tpu.memory_space<semaphore_mem>>) src(%dma_wait3A_935 : memref<128x2048xf32, #tpu.memory_space<any>>) dst(%dma_wait3A_931 : memref<128x2048xf32, #tpu.memory_space<vmem>>)
    %dma_wait3A_936 = arith.constant 3 : i32
    %dma_wait3A_937 = arith.constant 896 : i32
    %dma_wait3A_938 = arith.constant 0 : i32
    %dma_wait3A_939 = tpu.memref_slice %arg4[%dma_wait3A_937, %dma_wait3A_938] : memref<1024x2048xf32, #tpu.memory_space<vmem>> -> memref<128x2048xf32, #tpu.memory_space<vmem>>
    %dma_wait3A_940 = arith.constant 896 : i32
    %dma_wait3A_941 = arith.constant 0 : i32
    %dma_wait3A_942 = tpu.memref_slice %arg0[%dma_wait3A_936, %dma_wait3A_940, %dma_wait3A_941] : memref<4x1024x2048xf32, #tpu.memory_space<any>> -> memref<1x128x2048xf32, #tpu.memory_space<any>>
    %dma_wait3A_943 = tpu.memref_squeeze %dma_wait3A_942 : memref<1x128x2048xf32, #tpu.memory_space<any>> -> memref<128x2048xf32, #tpu.memory_space<any>>
    tpu.wait_dma2 semaphore(%arg10 : memref<!tpu.dma_semaphore, #tpu.memory_space<semaphore_mem>>) src(%dma_wait3A_943 : memref<128x2048xf32, #tpu.memory_space<any>>) dst(%dma_wait3A_939 : memref<128x2048xf32, #tpu.memory_space<vmem>>)
    %dma_wait3A_944 = arith.constant 2048 : i32
    %dma_wait3A_945 = arith.constant 0 : i32
    %dma_wait3A_946 = tpu.memref_slice %arg1[%dma_wait3A_944, %dma_wait3A_945] : memref<6144x1024xf32, #tpu.memory_space<any>> -> memref<128x1024xf32, #tpu.memory_space<any>>
    %dma_wait3A_947 = arith.constant 0 : i32
    %dma_wait3A_948 = arith.constant 0 : i32
    %dma_wait3A_949 = tpu.memref_slice %arg6[%dma_wait3A_947, %dma_wait3A_948] : memref<1024x1024xf32, #tpu.memory_space<vmem>> -> memref<128x1024xf32, #tpu.memory_space<vmem>>
    tpu.wait_dma2 semaphore(%arg12 : memref<!tpu.dma_semaphore, #tpu.memory_space<semaphore_mem>>) src(%dma_wait3A_949 : memref<128x1024xf32, #tpu.memory_space<vmem>>) dst(%dma_wait3A_946 : memref<128x1024xf32, #tpu.memory_space<any>>)
    %dma_wait3A_950 = arith.constant 2176 : i32
    %dma_wait3A_951 = arith.constant 0 : i32
    %dma_wait3A_952 = tpu.memref_slice %arg1[%dma_wait3A_950, %dma_wait3A_951] : memref<6144x1024xf32, #tpu.memory_space<any>> -> memref<128x1024xf32, #tpu.memory_space<any>>
    %dma_wait3A_953 = arith.constant 128 : i32
    %dma_wait3A_954 = arith.constant 0 : i32
    %dma_wait3A_955 = tpu.memref_slice %arg6[%dma_wait3A_953, %dma_wait3A_954] : memref<1024x1024xf32, #tpu.memory_space<vmem>> -> memref<128x1024xf32, #tpu.memory_space<vmem>>
    tpu.wait_dma2 semaphore(%arg12 : memref<!tpu.dma_semaphore, #tpu.memory_space<semaphore_mem>>) src(%dma_wait3A_955 : memref<128x1024xf32, #tpu.memory_space<vmem>>) dst(%dma_wait3A_952 : memref<128x1024xf32, #tpu.memory_space<any>>)
    %dma_wait3A_956 = arith.constant 2304 : i32
    %dma_wait3A_957 = arith.constant 0 : i32
    %dma_wait3A_958 = tpu.memref_slice %arg1[%dma_wait3A_956, %dma_wait3A_957] : memref<6144x1024xf32, #tpu.memory_space<any>> -> memref<128x1024xf32, #tpu.memory_space<any>>
    %dma_wait3A_959 = arith.constant 256 : i32
    %dma_wait3A_960 = arith.constant 0 : i32
    %dma_wait3A_961 = tpu.memref_slice %arg6[%dma_wait3A_959, %dma_wait3A_960] : memref<1024x1024xf32, #tpu.memory_space<vmem>> -> memref<128x1024xf32, #tpu.memory_space<vmem>>
    tpu.wait_dma2 semaphore(%arg12 : memref<!tpu.dma_semaphore, #tpu.memory_space<semaphore_mem>>) src(%dma_wait3A_961 : memref<128x1024xf32, #tpu.memory_space<vmem>>) dst(%dma_wait3A_958 : memref<128x1024xf32, #tpu.memory_space<any>>)
    %dma_wait3A_962 = arith.constant 2432 : i32
    %dma_wait3A_963 = arith.constant 0 : i32
    %dma_wait3A_964 = tpu.memref_slice %arg1[%dma_wait3A_962, %dma_wait3A_963] : memref<6144x1024xf32, #tpu.memory_space<any>> -> memref<128x1024xf32, #tpu.memory_space<any>>
    %dma_wait3A_965 = arith.constant 384 : i32
    %dma_wait3A_966 = arith.constant 0 : i32
    %dma_wait3A_967 = tpu.memref_slice %arg6[%dma_wait3A_965, %dma_wait3A_966] : memref<1024x1024xf32, #tpu.memory_space<vmem>> -> memref<128x1024xf32, #tpu.memory_space<vmem>>
    tpu.wait_dma2 semaphore(%arg12 : memref<!tpu.dma_semaphore, #tpu.memory_space<semaphore_mem>>) src(%dma_wait3A_967 : memref<128x1024xf32, #tpu.memory_space<vmem>>) dst(%dma_wait3A_964 : memref<128x1024xf32, #tpu.memory_space<any>>)
    %dma_wait3A_968 = arith.constant 2560 : i32
    %dma_wait3A_969 = arith.constant 0 : i32
    %dma_wait3A_970 = tpu.memref_slice %arg1[%dma_wait3A_968, %dma_wait3A_969] : memref<6144x1024xf32, #tpu.memory_space<any>> -> memref<128x1024xf32, #tpu.memory_space<any>>
    %dma_wait3A_971 = arith.constant 512 : i32
    %dma_wait3A_972 = arith.constant 0 : i32
    %dma_wait3A_973 = tpu.memref_slice %arg6[%dma_wait3A_971, %dma_wait3A_972] : memref<1024x1024xf32, #tpu.memory_space<vmem>> -> memref<128x1024xf32, #tpu.memory_space<vmem>>
    tpu.wait_dma2 semaphore(%arg12 : memref<!tpu.dma_semaphore, #tpu.memory_space<semaphore_mem>>) src(%dma_wait3A_973 : memref<128x1024xf32, #tpu.memory_space<vmem>>) dst(%dma_wait3A_970 : memref<128x1024xf32, #tpu.memory_space<any>>)
    %dma_wait3A_974 = arith.constant 2688 : i32
    %dma_wait3A_975 = arith.constant 0 : i32
    %dma_wait3A_976 = tpu.memref_slice %arg1[%dma_wait3A_974, %dma_wait3A_975] : memref<6144x1024xf32, #tpu.memory_space<any>> -> memref<128x1024xf32, #tpu.memory_space<any>>
    %dma_wait3A_977 = arith.constant 640 : i32
    %dma_wait3A_978 = arith.constant 0 : i32
    %dma_wait3A_979 = tpu.memref_slice %arg6[%dma_wait3A_977, %dma_wait3A_978] : memref<1024x1024xf32, #tpu.memory_space<vmem>> -> memref<128x1024xf32, #tpu.memory_space<vmem>>
    tpu.wait_dma2 semaphore(%arg12 : memref<!tpu.dma_semaphore, #tpu.memory_space<semaphore_mem>>) src(%dma_wait3A_979 : memref<128x1024xf32, #tpu.memory_space<vmem>>) dst(%dma_wait3A_976 : memref<128x1024xf32, #tpu.memory_space<any>>)
    %dma_wait3A_980 = arith.constant 2816 : i32
    %dma_wait3A_981 = arith.constant 0 : i32
    %dma_wait3A_982 = tpu.memref_slice %arg1[%dma_wait3A_980, %dma_wait3A_981] : memref<6144x1024xf32, #tpu.memory_space<any>> -> memref<128x1024xf32, #tpu.memory_space<any>>
    %dma_wait3A_983 = arith.constant 768 : i32
    %dma_wait3A_984 = arith.constant 0 : i32
    %dma_wait3A_985 = tpu.memref_slice %arg6[%dma_wait3A_983, %dma_wait3A_984] : memref<1024x1024xf32, #tpu.memory_space<vmem>> -> memref<128x1024xf32, #tpu.memory_space<vmem>>
    tpu.wait_dma2 semaphore(%arg12 : memref<!tpu.dma_semaphore, #tpu.memory_space<semaphore_mem>>) src(%dma_wait3A_985 : memref<128x1024xf32, #tpu.memory_space<vmem>>) dst(%dma_wait3A_982 : memref<128x1024xf32, #tpu.memory_space<any>>)
    %dma_wait3A_986 = arith.constant 2944 : i32
    %dma_wait3A_987 = arith.constant 0 : i32
    %dma_wait3A_988 = tpu.memref_slice %arg1[%dma_wait3A_986, %dma_wait3A_987] : memref<6144x1024xf32, #tpu.memory_space<any>> -> memref<128x1024xf32, #tpu.memory_space<any>>
    %dma_wait3A_989 = arith.constant 896 : i32
    %dma_wait3A_990 = arith.constant 0 : i32
    %dma_wait3A_991 = tpu.memref_slice %arg6[%dma_wait3A_989, %dma_wait3A_990] : memref<1024x1024xf32, #tpu.memory_space<vmem>> -> memref<128x1024xf32, #tpu.memory_space<vmem>>
    tpu.wait_dma2 semaphore(%arg12 : memref<!tpu.dma_semaphore, #tpu.memory_space<semaphore_mem>>) src(%dma_wait3A_991 : memref<128x1024xf32, #tpu.memory_space<vmem>>) dst(%dma_wait3A_988 : memref<128x1024xf32, #tpu.memory_space<any>>)
    %dma_wait3A_992 = arith.constant 1 : i32
    %dma_wait3A_993 = arith.constant 0 : i32
    %dma_wait3A_994 = arith.constant 0 : i32
    %dma_wait3A_995 = tpu.memref_slice %arg2[%dma_wait3A_992, %dma_wait3A_993, %dma_wait3A_994] : memref<4x1x1024xi32, #tpu.memory_space<any>> -> memref<1x1x1024xi32, #tpu.memory_space<any>>
    %dma_wait3A_996 = tpu.memref_squeeze %dma_wait3A_995 : memref<1x1x1024xi32, #tpu.memory_space<any>> -> memref<1x1024xi32, #tpu.memory_space<any>>
    tpu.wait_dma2 semaphore(%arg14 : memref<!tpu.dma_semaphore, #tpu.memory_space<semaphore_mem>>) src(%arg8 : memref<1x1024xi32, #tpu.memory_space<vmem>>) dst(%dma_wait3A_996 : memref<1x1024xi32, #tpu.memory_space<any>>)
    %get3A_997 = arith.constant 0 : index
    %get3A_998 = arith.constant 0 : index
    %get3A_999 = vector.load %arg4[%get3A_997, %get3A_998] : memref<1024x2048xf32, #tpu.memory_space<vmem>>, vector<1024x2048xf32>
    %slice3A_1000 = vector.extract_strided_slice %get3A_999 {offsets = [0, 0], sizes = [1024, 1024], strides = [1, 1]} : vector<1024x2048xf32> to vector<1024x1024xf32>
    %slice3A_1001 = vector.extract_strided_slice %get3A_999 {offsets = [0, 1024], sizes = [1024, 1024], strides = [1, 1]} : vector<1024x2048xf32> to vector<1024x1024xf32>
    %dot_general3A_1002 = arith.constant dense<0.000000e+00> : vector<1024x1024xf32>
    %dot_general3A_1003 = tpu.matmul %slice3A_1000, %slice3A_1001, %dot_general3A_1002 {dimension_numbers = #tpu.dot_dimension_numbers<[1], [1], [0], [0], [0, 0, 1, 0], [], []>, transpose_lhs_hint = false} : vector<1024x1024xf32>, vector<1024x1024xf32>, vector<1024x1024xf32> -> vector<1024x1024xf32>
    %iota3A_1004 = tpu.iota {dimensions = array<i32: 1>} : vector<1024x1024xi32>
    %iota3A_1005 = tpu.iota {dimensions = array<i32: 0>} : vector<1024x1024xi32>
    %reduce_max3A_1006 = arith.constant dense<0xFF800000> : vector<1024xf32>
    %reduce_max3A_1007 = vector.multi_reduction <maximumf>, %dot_general3A_1003, %reduce_max3A_1006 [1] : vector<1024x1024xf32> to vector<1024xf32>
    %broadcast_in_dim3A_1008 = vector.shape_cast %reduce_max3A_1007 : vector<1024xf32> to vector<1024x1xf32>
    %transpose3A_1009 = tpu.transpose %broadcast_in_dim3A_1008, [1, 0] : vector<1024x1xf32> -> vector<1x1024xf32>
    %eq3A_1010 = vector.broadcast %broadcast_in_dim3A_1008 : vector<1024x1xf32> to vector<1024x1024xf32>
    %eq3A_1011 = arith.cmpf oeq, %dot_general3A_1003, %eq3A_1010 : vector<1024x1024xf32>
    %jit3A_1012 = arith.constant 1024 : i32
    %broadcast_in_dim3A_1013 = vector.broadcast %jit3A_1012 : i32 to vector<1024x1024xi32>
    %select_n3A_1014 = arith.select %eq3A_1011, %iota3A_1004, %broadcast_in_dim3A_1013 : vector<1024x1024xi1>, vector<1024x1024xi32>
    %reduce_min3A_1015 = arith.constant dense<2147483647> : vector<1024xi32>
    %reduce_min3A_1016 = vector.multi_reduction <minsi>, %select_n3A_1014, %reduce_min3A_1015 [1] : vector<1024x1024xi32> to vector<1024xi32>
    %broadcast_in_dim3A_1017 = vector.shape_cast %reduce_min3A_1016 : vector<1024xi32> to vector<1024x1xi32>
    %transpose3A_1018 = tpu.transpose %broadcast_in_dim3A_1017, [1, 0] : vector<1024x1xi32> -> vector<1x1024xi32>
    %gt3A_1019 = vector.broadcast %transpose3A_1009 : vector<1x1024xf32> to vector<1024x1024xf32>
    %gt3A_1020 = vector.broadcast %broadcast_in_dim3A_1008 : vector<1024x1xf32> to vector<1024x1024xf32>
    %gt3A_1021 = arith.cmpf ogt, %gt3A_1019, %gt3A_1020 : vector<1024x1024xf32>
    %eq3A_1022 = vector.broadcast %transpose3A_1009 : vector<1x1024xf32> to vector<1024x1024xf32>
    %eq3A_1023 = vector.broadcast %broadcast_in_dim3A_1008 : vector<1024x1xf32> to vector<1024x1024xf32>
    %eq3A_1024 = arith.cmpf oeq, %eq3A_1022, %eq3A_1023 : vector<1024x1024xf32>
    %lt3A_1025 = arith.cmpi slt, %iota3A_1004, %iota3A_1005 : vector<1024x1024xi32>
    %and3A_1026 = arith.andi %eq3A_1024, %lt3A_1025 : vector<1024x1024xi1>
    %or3A_1027 = arith.ori %gt3A_1021, %and3A_1026 : vector<1024x1024xi1>
    %convert_element_type3A_1028 = arith.extui %or3A_1027 : vector<1024x1024xi1> to vector<1024x1024xi32>
    %reduce_sum3A_1029 = arith.constant dense<0> : vector<1024xi32>
    %reduce_sum3A_1030 = vector.multi_reduction <add>, %convert_element_type3A_1028, %reduce_sum3A_1029 [1] : vector<1024x1024xi32> to vector<1024xi32>
    %broadcast_in_dim3A_1031 = vector.shape_cast %reduce_sum3A_1030 : vector<1024xi32> to vector<1024x1xi32>
    %transpose3A_1032 = tpu.transpose %broadcast_in_dim3A_1031, [1, 0] : vector<1024x1xi32> -> vector<1x1024xi32>
    %lt3A_1033 = arith.constant 512 : i32
    %lt3A_1034 = vector.broadcast %lt3A_1033 : i32 to vector<1x1024xi32>
    %lt3A_1035 = arith.cmpi slt, %transpose3A_1032, %lt3A_1034 : vector<1x1024xi32>
    %eq3A_1036 = vector.broadcast %transpose3A_1018 : vector<1x1024xi32> to vector<1024x1024xi32>
    %eq3A_1037 = arith.cmpi eq, %eq3A_1036, %iota3A_1005 : vector<1024x1024xi32>
    %and3A_1038 = vector.broadcast %lt3A_1035 : vector<1x1024xi1> to vector<1024x1024xi1>
    %and3A_1039 = arith.andi %eq3A_1037, %and3A_1038 : vector<1024x1024xi1>
    %convert_element_type3A_1040 = arith.extui %and3A_1039 : vector<1024x1024xi1> to vector<1024x1024xi32>
    %convert_element_type3A_1041 = arith.sitofp %convert_element_type3A_1040 : vector<1024x1024xi32> to vector<1024x1024xf32>
    %convert_element_type3A_1042 = arith.truncf %convert_element_type3A_1041 : vector<1024x1024xf32> to vector<1024x1024xbf16>
    %convert_element_type3A_1043 = arith.truncf %slice3A_1000 : vector<1024x1024xf32> to vector<1024x1024xbf16>
    %dot_general3A_1044 = arith.constant dense<0.000000e+00> : vector<1024x1024xf32>
    %dot_general3A_1045 = tpu.matmul %convert_element_type3A_1042, %convert_element_type3A_1043, %dot_general3A_1044 {dimension_numbers = #tpu.dot_dimension_numbers<[1], [0], [0], [1], [0, 0, 1, 1], [], []>, transpose_lhs_hint = false} : vector<1024x1024xbf16>, vector<1024x1024xbf16>, vector<1024x1024xf32> -> vector<1024x1024xf32>
    %reduce_sum3A_1046 = arith.constant dense<0.000000e+00> : vector<1024xf32>
    %reduce_sum3A_1047 = vector.multi_reduction <add>, %convert_element_type3A_1041, %reduce_sum3A_1046 [1] : vector<1024x1024xf32> to vector<1024xf32>
    %broadcast_in_dim3A_1048 = vector.shape_cast %reduce_sum3A_1047 : vector<1024xf32> to vector<1024x1xf32>
    %add3A_1049 = arith.constant 1.000000e+00 : f32
    %add3A_1050 = vector.broadcast %add3A_1049 : f32 to vector<1024x1xf32>
    %add3A_1051 = arith.addf %add3A_1050, %broadcast_in_dim3A_1048 : vector<1024x1xf32>
    %add3A_1052 = arith.addf %slice3A_1001, %dot_general3A_1045 : vector<1024x1024xf32>
    %div3A_1053 = arith.constant 1.000000e+00 : f32
    %div3A_1054 = vector.broadcast %div3A_1053 : f32 to vector<1024x1xf32>
    %div3A_1055 = arith.divf %div3A_1054, %add3A_1051 : vector<1024x1xf32>
    %mul3A_1056 = vector.broadcast %div3A_1055 : vector<1024x1xf32> to vector<1024x1024xf32>
    %mul3A_1057 = arith.mulf %add3A_1052, %mul3A_1056 : vector<1024x1024xf32>
    %swap3A_1058 = arith.constant 0 : index
    %swap3A_1059 = arith.constant 0 : index
    %swap3A_1060 = vector.load %arg6[%swap3A_1058, %swap3A_1059] : memref<1024x1024xf32, #tpu.memory_space<vmem>>, vector<1024x1024xf32>
    tpu.vector_store %arg6[%swap3A_1058, %swap3A_1059], %mul3A_1057 {strides = array<i32>} : memref<1024x1024xf32, #tpu.memory_space<vmem>>, vector<1024x1024xf32>,
    %eq3A_1061 = vector.broadcast %broadcast_in_dim3A_1031 : vector<1024x1xi32> to vector<1024x1024xi32>
    %eq3A_1062 = arith.cmpi eq, %eq3A_1061, %iota3A_1004 : vector<1024x1024xi32>
    %jit3A_1063 = arith.constant 0 : i32
    %broadcast_in_dim3A_1064 = vector.broadcast %jit3A_1063 : i32 to vector<1024x1024xi32>
    %select_n3A_1065 = arith.select %eq3A_1062, %iota3A_1005, %broadcast_in_dim3A_1064 : vector<1024x1024xi1>, vector<1024x1024xi32>
    %reduce_sum3A_1066 = arith.constant dense<0> : vector<1024xi32>
    %reduce_sum3A_1067 = vector.multi_reduction <add>, %select_n3A_1065, %reduce_sum3A_1066 [0] : vector<1024x1024xi32> to vector<1024xi32>
    %broadcast_in_dim3A_1068 = vector.shape_cast %reduce_sum3A_1067 : vector<1024xi32> to vector<1x1024xi32>
    %mul3A_1069 = arith.constant 2 : i32
    %mul3A_1070 = vector.broadcast %mul3A_1069 : i32 to vector<1x1024xi32>
    %mul3A_1071 = arith.muli %mul3A_1070, %broadcast_in_dim3A_1068 : vector<1x1024xi32>
    %add3A_1072 = arith.constant 6144 : i32
    %add3A_1073 = vector.broadcast %add3A_1072 : i32 to vector<1x1024xi32>
    %add3A_1074 = arith.addi %add3A_1073, %mul3A_1071 : vector<1x1024xi32>
    %swap3A_1075 = arith.constant 0 : index
    %swap3A_1076 = arith.constant 0 : index
    %swap3A_1077 = vector.load %arg8[%swap3A_1075, %swap3A_1076] : memref<1x1024xi32, #tpu.memory_space<vmem>>, vector<1x1024xi32>
    tpu.vector_store %arg8[%swap3A_1075, %swap3A_1076], %add3A_1074 {strides = array<i32>} : memref<1x1024xi32, #tpu.memory_space<vmem>>, vector<1x1024xi32>,
    %dma_start3A_1078 = arith.constant 5120 : i32
    %dma_start3A_1079 = arith.constant 0 : i32
    %dma_start3A_1080 = tpu.memref_slice %arg1[%dma_start3A_1078, %dma_start3A_1079] : memref<6144x1024xf32, #tpu.memory_space<any>> -> memref<128x1024xf32, #tpu.memory_space<any>>
    %dma_start3A_1081 = arith.constant 0 : i32
    %dma_start3A_1082 = arith.constant 0 : i32
    %dma_start3A_1083 = tpu.memref_slice %arg6[%dma_start3A_1081, %dma_start3A_1082] : memref<1024x1024xf32, #tpu.memory_space<vmem>> -> memref<128x1024xf32, #tpu.memory_space<vmem>>
    tpu.enqueue_dma source(%dma_start3A_1083 : memref<128x1024xf32, #tpu.memory_space<vmem>>) target(%dma_start3A_1080 : memref<128x1024xf32, #tpu.memory_space<any>>) target_semaphore(%arg12 : memref<!tpu.dma_semaphore, #tpu.memory_space<semaphore_mem>>)
    %dma_start3A_1084 = arith.constant 5248 : i32
    %dma_start3A_1085 = arith.constant 0 : i32
    %dma_start3A_1086 = tpu.memref_slice %arg1[%dma_start3A_1084, %dma_start3A_1085] : memref<6144x1024xf32, #tpu.memory_space<any>> -> memref<128x1024xf32, #tpu.memory_space<any>>
    %dma_start3A_1087 = arith.constant 128 : i32
    %dma_start3A_1088 = arith.constant 0 : i32
    %dma_start3A_1089 = tpu.memref_slice %arg6[%dma_start3A_1087, %dma_start3A_1088] : memref<1024x1024xf32, #tpu.memory_space<vmem>> -> memref<128x1024xf32, #tpu.memory_space<vmem>>
    tpu.enqueue_dma source(%dma_start3A_1089 : memref<128x1024xf32, #tpu.memory_space<vmem>>) target(%dma_start3A_1086 : memref<128x1024xf32, #tpu.memory_space<any>>) target_semaphore(%arg12 : memref<!tpu.dma_semaphore, #tpu.memory_space<semaphore_mem>>)
    %dma_start3A_1090 = arith.constant 5376 : i32
    %dma_start3A_1091 = arith.constant 0 : i32
    %dma_start3A_1092 = tpu.memref_slice %arg1[%dma_start3A_1090, %dma_start3A_1091] : memref<6144x1024xf32, #tpu.memory_space<any>> -> memref<128x1024xf32, #tpu.memory_space<any>>
    %dma_start3A_1093 = arith.constant 256 : i32
    %dma_start3A_1094 = arith.constant 0 : i32
    %dma_start3A_1095 = tpu.memref_slice %arg6[%dma_start3A_1093, %dma_start3A_1094] : memref<1024x1024xf32, #tpu.memory_space<vmem>> -> memref<128x1024xf32, #tpu.memory_space<vmem>>
    tpu.enqueue_dma source(%dma_start3A_1095 : memref<128x1024xf32, #tpu.memory_space<vmem>>) target(%dma_start3A_1092 : memref<128x1024xf32, #tpu.memory_space<any>>) target_semaphore(%arg12 : memref<!tpu.dma_semaphore, #tpu.memory_space<semaphore_mem>>)
    %dma_start3A_1096 = arith.constant 5504 : i32
    %dma_start3A_1097 = arith.constant 0 : i32
    %dma_start3A_1098 = tpu.memref_slice %arg1[%dma_start3A_1096, %dma_start3A_1097] : memref<6144x1024xf32, #tpu.memory_space<any>> -> memref<128x1024xf32, #tpu.memory_space<any>>
    %dma_start3A_1099 = arith.constant 384 : i32
    %dma_start3A_1100 = arith.constant 0 : i32
    %dma_start3A_1101 = tpu.memref_slice %arg6[%dma_start3A_1099, %dma_start3A_1100] : memref<1024x1024xf32, #tpu.memory_space<vmem>> -> memref<128x1024xf32, #tpu.memory_space<vmem>>
    tpu.enqueue_dma source(%dma_start3A_1101 : memref<128x1024xf32, #tpu.memory_space<vmem>>) target(%dma_start3A_1098 : memref<128x1024xf32, #tpu.memory_space<any>>) target_semaphore(%arg12 : memref<!tpu.dma_semaphore, #tpu.memory_space<semaphore_mem>>)
    %dma_start3A_1102 = arith.constant 5632 : i32
    %dma_start3A_1103 = arith.constant 0 : i32
    %dma_start3A_1104 = tpu.memref_slice %arg1[%dma_start3A_1102, %dma_start3A_1103] : memref<6144x1024xf32, #tpu.memory_space<any>> -> memref<128x1024xf32, #tpu.memory_space<any>>
    %dma_start3A_1105 = arith.constant 512 : i32
    %dma_start3A_1106 = arith.constant 0 : i32
    %dma_start3A_1107 = tpu.memref_slice %arg6[%dma_start3A_1105, %dma_start3A_1106] : memref<1024x1024xf32, #tpu.memory_space<vmem>> -> memref<128x1024xf32, #tpu.memory_space<vmem>>
    tpu.enqueue_dma source(%dma_start3A_1107 : memref<128x1024xf32, #tpu.memory_space<vmem>>) target(%dma_start3A_1104 : memref<128x1024xf32, #tpu.memory_space<any>>) target_semaphore(%arg12 : memref<!tpu.dma_semaphore, #tpu.memory_space<semaphore_mem>>)
    %dma_start3A_1108 = arith.constant 5760 : i32
    %dma_start3A_1109 = arith.constant 0 : i32
    %dma_start3A_1110 = tpu.memref_slice %arg1[%dma_start3A_1108, %dma_start3A_1109] : memref<6144x1024xf32, #tpu.memory_space<any>> -> memref<128x1024xf32, #tpu.memory_space<any>>
    %dma_start3A_1111 = arith.constant 640 : i32
    %dma_start3A_1112 = arith.constant 0 : i32
    %dma_start3A_1113 = tpu.memref_slice %arg6[%dma_start3A_1111, %dma_start3A_1112] : memref<1024x1024xf32, #tpu.memory_space<vmem>> -> memref<128x1024xf32, #tpu.memory_space<vmem>>
    tpu.enqueue_dma source(%dma_start3A_1113 : memref<128x1024xf32, #tpu.memory_space<vmem>>) target(%dma_start3A_1110 : memref<128x1024xf32, #tpu.memory_space<any>>) target_semaphore(%arg12 : memref<!tpu.dma_semaphore, #tpu.memory_space<semaphore_mem>>)
    %dma_start3A_1114 = arith.constant 5888 : i32
    %dma_start3A_1115 = arith.constant 0 : i32
    %dma_start3A_1116 = tpu.memref_slice %arg1[%dma_start3A_1114, %dma_start3A_1115] : memref<6144x1024xf32, #tpu.memory_space<any>> -> memref<128x1024xf32, #tpu.memory_space<any>>
    %dma_start3A_1117 = arith.constant 768 : i32
    %dma_start3A_1118 = arith.constant 0 : i32
    %dma_start3A_1119 = tpu.memref_slice %arg6[%dma_start3A_1117, %dma_start3A_1118] : memref<1024x1024xf32, #tpu.memory_space<vmem>> -> memref<128x1024xf32, #tpu.memory_space<vmem>>
    tpu.enqueue_dma source(%dma_start3A_1119 : memref<128x1024xf32, #tpu.memory_space<vmem>>) target(%dma_start3A_1116 : memref<128x1024xf32, #tpu.memory_space<any>>) target_semaphore(%arg12 : memref<!tpu.dma_semaphore, #tpu.memory_space<semaphore_mem>>)
    %dma_start3A_1120 = arith.constant 6016 : i32
    %dma_start3A_1121 = arith.constant 0 : i32
    %dma_start3A_1122 = tpu.memref_slice %arg1[%dma_start3A_1120, %dma_start3A_1121] : memref<6144x1024xf32, #tpu.memory_space<any>> -> memref<128x1024xf32, #tpu.memory_space<any>>
    %dma_start3A_1123 = arith.constant 896 : i32
    %dma_start3A_1124 = arith.constant 0 : i32
    %dma_start3A_1125 = tpu.memref_slice %arg6[%dma_start3A_1123, %dma_start3A_1124] : memref<1024x1024xf32, #tpu.memory_space<vmem>> -> memref<128x1024xf32, #tpu.memory_space<vmem>>
    tpu.enqueue_dma source(%dma_start3A_1125 : memref<128x1024xf32, #tpu.memory_space<vmem>>) target(%dma_start3A_1122 : memref<128x1024xf32, #tpu.memory_space<any>>) target_semaphore(%arg12 : memref<!tpu.dma_semaphore, #tpu.memory_space<semaphore_mem>>)
    %dma_start3A_1126 = arith.constant 3 : i32
    %dma_start3A_1127 = arith.constant 0 : i32
    %dma_start3A_1128 = arith.constant 0 : i32
    %dma_start3A_1129 = tpu.memref_slice %arg2[%dma_start3A_1126, %dma_start3A_1127, %dma_start3A_1128] : memref<4x1x1024xi32, #tpu.memory_space<any>> -> memref<1x1x1024xi32, #tpu.memory_space<any>>
    %dma_start3A_1130 = tpu.memref_squeeze %dma_start3A_1129 : memref<1x1x1024xi32, #tpu.memory_space<any>> -> memref<1x1024xi32, #tpu.memory_space<any>>
    tpu.enqueue_dma source(%arg8 : memref<1x1024xi32, #tpu.memory_space<vmem>>) target(%dma_start3A_1130 : memref<1x1024xi32, #tpu.memory_space<any>>) target_semaphore(%arg14 : memref<!tpu.dma_semaphore, #tpu.memory_space<semaphore_mem>>)
    %dma_wait3A_1131 = arith.constant 3584 : i32
    %dma_wait3A_1132 = arith.constant 0 : i32
    %dma_wait3A_1133 = tpu.memref_slice %arg1[%dma_wait3A_1131, %dma_wait3A_1132] : memref<6144x1024xf32, #tpu.memory_space<any>> -> memref<128x1024xf32, #tpu.memory_space<any>>
    %dma_wait3A_1134 = arith.constant 0 : i32
    %dma_wait3A_1135 = arith.constant 0 : i32
    %dma_wait3A_1136 = tpu.memref_slice %arg5[%dma_wait3A_1134, %dma_wait3A_1135] : memref<1024x1024xf32, #tpu.memory_space<vmem>> -> memref<128x1024xf32, #tpu.memory_space<vmem>>
    tpu.wait_dma2 semaphore(%arg11 : memref<!tpu.dma_semaphore, #tpu.memory_space<semaphore_mem>>) src(%dma_wait3A_1136 : memref<128x1024xf32, #tpu.memory_space<vmem>>) dst(%dma_wait3A_1133 : memref<128x1024xf32, #tpu.memory_space<any>>)
    %dma_wait3A_1137 = arith.constant 3712 : i32
    %dma_wait3A_1138 = arith.constant 0 : i32
    %dma_wait3A_1139 = tpu.memref_slice %arg1[%dma_wait3A_1137, %dma_wait3A_1138] : memref<6144x1024xf32, #tpu.memory_space<any>> -> memref<128x1024xf32, #tpu.memory_space<any>>
    %dma_wait3A_1140 = arith.constant 128 : i32
    %dma_wait3A_1141 = arith.constant 0 : i32
    %dma_wait3A_1142 = tpu.memref_slice %arg5[%dma_wait3A_1140, %dma_wait3A_1141] : memref<1024x1024xf32, #tpu.memory_space<vmem>> -> memref<128x1024xf32, #tpu.memory_space<vmem>>
    tpu.wait_dma2 semaphore(%arg11 : memref<!tpu.dma_semaphore, #tpu.memory_space<semaphore_mem>>) src(%dma_wait3A_1142 : memref<128x1024xf32, #tpu.memory_space<vmem>>) dst(%dma_wait3A_1139 : memref<128x1024xf32, #tpu.memory_space<any>>)
    %dma_wait3A_1143 = arith.constant 3840 : i32
    %dma_wait3A_1144 = arith.constant 0 : i32
    %dma_wait3A_1145 = tpu.memref_slice %arg1[%dma_wait3A_1143, %dma_wait3A_1144] : memref<6144x1024xf32, #tpu.memory_space<any>> -> memref<128x1024xf32, #tpu.memory_space<any>>
    %dma_wait3A_1146 = arith.constant 256 : i32
    %dma_wait3A_1147 = arith.constant 0 : i32
    %dma_wait3A_1148 = tpu.memref_slice %arg5[%dma_wait3A_1146, %dma_wait3A_1147] : memref<1024x1024xf32, #tpu.memory_space<vmem>> -> memref<128x1024xf32, #tpu.memory_space<vmem>>
    tpu.wait_dma2 semaphore(%arg11 : memref<!tpu.dma_semaphore, #tpu.memory_space<semaphore_mem>>) src(%dma_wait3A_1148 : memref<128x1024xf32, #tpu.memory_space<vmem>>) dst(%dma_wait3A_1145 : memref<128x1024xf32, #tpu.memory_space<any>>)
    %dma_wait3A_1149 = arith.constant 3968 : i32
    %dma_wait3A_1150 = arith.constant 0 : i32
    %dma_wait3A_1151 = tpu.memref_slice %arg1[%dma_wait3A_1149, %dma_wait3A_1150] : memref<6144x1024xf32, #tpu.memory_space<any>> -> memref<128x1024xf32, #tpu.memory_space<any>>
    %dma_wait3A_1152 = arith.constant 384 : i32
    %dma_wait3A_1153 = arith.constant 0 : i32
    %dma_wait3A_1154 = tpu.memref_slice %arg5[%dma_wait3A_1152, %dma_wait3A_1153] : memref<1024x1024xf32, #tpu.memory_space<vmem>> -> memref<128x1024xf32, #tpu.memory_space<vmem>>
    tpu.wait_dma2 semaphore(%arg11 : memref<!tpu.dma_semaphore, #tpu.memory_space<semaphore_mem>>) src(%dma_wait3A_1154 : memref<128x1024xf32, #tpu.memory_space<vmem>>) dst(%dma_wait3A_1151 : memref<128x1024xf32, #tpu.memory_space<any>>)
    %dma_wait3A_1155 = arith.constant 4096 : i32
    %dma_wait3A_1156 = arith.constant 0 : i32
    %dma_wait3A_1157 = tpu.memref_slice %arg1[%dma_wait3A_1155, %dma_wait3A_1156] : memref<6144x1024xf32, #tpu.memory_space<any>> -> memref<128x1024xf32, #tpu.memory_space<any>>
    %dma_wait3A_1158 = arith.constant 512 : i32
    %dma_wait3A_1159 = arith.constant 0 : i32
    %dma_wait3A_1160 = tpu.memref_slice %arg5[%dma_wait3A_1158, %dma_wait3A_1159] : memref<1024x1024xf32, #tpu.memory_space<vmem>> -> memref<128x1024xf32, #tpu.memory_space<vmem>>
    tpu.wait_dma2 semaphore(%arg11 : memref<!tpu.dma_semaphore, #tpu.memory_space<semaphore_mem>>) src(%dma_wait3A_1160 : memref<128x1024xf32, #tpu.memory_space<vmem>>) dst(%dma_wait3A_1157 : memref<128x1024xf32, #tpu.memory_space<any>>)
    %dma_wait3A_1161 = arith.constant 4224 : i32
    %dma_wait3A_1162 = arith.constant 0 : i32
    %dma_wait3A_1163 = tpu.memref_slice %arg1[%dma_wait3A_1161, %dma_wait3A_1162] : memref<6144x1024xf32, #tpu.memory_space<any>> -> memref<128x1024xf32, #tpu.memory_space<any>>
    %dma_wait3A_1164 = arith.constant 640 : i32
    %dma_wait3A_1165 = arith.constant 0 : i32
    %dma_wait3A_1166 = tpu.memref_slice %arg5[%dma_wait3A_1164, %dma_wait3A_1165] : memref<1024x1024xf32, #tpu.memory_space<vmem>> -> memref<128x1024xf32, #tpu.memory_space<vmem>>
    tpu.wait_dma2 semaphore(%arg11 : memref<!tpu.dma_semaphore, #tpu.memory_space<semaphore_mem>>) src(%dma_wait3A_1166 : memref<128x1024xf32, #tpu.memory_space<vmem>>) dst(%dma_wait3A_1163 : memref<128x1024xf32, #tpu.memory_space<any>>)
    %dma_wait3A_1167 = arith.constant 4352 : i32
    %dma_wait3A_1168 = arith.constant 0 : i32
    %dma_wait3A_1169 = tpu.memref_slice %arg1[%dma_wait3A_1167, %dma_wait3A_1168] : memref<6144x1024xf32, #tpu.memory_space<any>> -> memref<128x1024xf32, #tpu.memory_space<any>>
    %dma_wait3A_1170 = arith.constant 768 : i32
    %dma_wait3A_1171 = arith.constant 0 : i32
    %dma_wait3A_1172 = tpu.memref_slice %arg5[%dma_wait3A_1170, %dma_wait3A_1171] : memref<1024x1024xf32, #tpu.memory_space<vmem>> -> memref<128x1024xf32, #tpu.memory_space<vmem>>
    tpu.wait_dma2 semaphore(%arg11 : memref<!tpu.dma_semaphore, #tpu.memory_space<semaphore_mem>>) src(%dma_wait3A_1172 : memref<128x1024xf32, #tpu.memory_space<vmem>>) dst(%dma_wait3A_1169 : memref<128x1024xf32, #tpu.memory_space<any>>)
    %dma_wait3A_1173 = arith.constant 4480 : i32
    %dma_wait3A_1174 = arith.constant 0 : i32
    %dma_wait3A_1175 = tpu.memref_slice %arg1[%dma_wait3A_1173, %dma_wait3A_1174] : memref<6144x1024xf32, #tpu.memory_space<any>> -> memref<128x1024xf32, #tpu.memory_space<any>>
    %dma_wait3A_1176 = arith.constant 896 : i32
    %dma_wait3A_1177 = arith.constant 0 : i32
    %dma_wait3A_1178 = tpu.memref_slice %arg5[%dma_wait3A_1176, %dma_wait3A_1177] : memref<1024x1024xf32, #tpu.memory_space<vmem>> -> memref<128x1024xf32, #tpu.memory_space<vmem>>
    tpu.wait_dma2 semaphore(%arg11 : memref<!tpu.dma_semaphore, #tpu.memory_space<semaphore_mem>>) src(%dma_wait3A_1178 : memref<128x1024xf32, #tpu.memory_space<vmem>>) dst(%dma_wait3A_1175 : memref<128x1024xf32, #tpu.memory_space<any>>)
    %dma_wait3A_1179 = arith.constant 2 : i32
    %dma_wait3A_1180 = arith.constant 0 : i32
    %dma_wait3A_1181 = arith.constant 0 : i32
    %dma_wait3A_1182 = tpu.memref_slice %arg2[%dma_wait3A_1179, %dma_wait3A_1180, %dma_wait3A_1181] : memref<4x1x1024xi32, #tpu.memory_space<any>> -> memref<1x1x1024xi32, #tpu.memory_space<any>>
    %dma_wait3A_1183 = tpu.memref_squeeze %dma_wait3A_1182 : memref<1x1x1024xi32, #tpu.memory_space<any>> -> memref<1x1024xi32, #tpu.memory_space<any>>
    tpu.wait_dma2 semaphore(%arg13 : memref<!tpu.dma_semaphore, #tpu.memory_space<semaphore_mem>>) src(%arg7 : memref<1x1024xi32, #tpu.memory_space<vmem>>) dst(%dma_wait3A_1183 : memref<1x1024xi32, #tpu.memory_space<any>>)
    %dma_wait3A_1184 = arith.constant 5120 : i32
    %dma_wait3A_1185 = arith.constant 0 : i32
    %dma_wait3A_1186 = tpu.memref_slice %arg1[%dma_wait3A_1184, %dma_wait3A_1185] : memref<6144x1024xf32, #tpu.memory_space<any>> -> memref<128x1024xf32, #tpu.memory_space<any>>
    %dma_wait3A_1187 = arith.constant 0 : i32
    %dma_wait3A_1188 = arith.constant 0 : i32
    %dma_wait3A_1189 = tpu.memref_slice %arg6[%dma_wait3A_1187, %dma_wait3A_1188] : memref<1024x1024xf32, #tpu.memory_space<vmem>> -> memref<128x1024xf32, #tpu.memory_space<vmem>>
    tpu.wait_dma2 semaphore(%arg12 : memref<!tpu.dma_semaphore, #tpu.memory_space<semaphore_mem>>) src(%dma_wait3A_1189 : memref<128x1024xf32, #tpu.memory_space<vmem>>) dst(%dma_wait3A_1186 : memref<128x1024xf32, #tpu.memory_space<any>>)
    %dma_wait3A_1190 = arith.constant 5248 : i32
    %dma_wait3A_1191 = arith.constant 0 : i32
    %dma_wait3A_1192 = tpu.memref_slice %arg1[%dma_wait3A_1190, %dma_wait3A_1191] : memref<6144x1024xf32, #tpu.memory_space<any>> -> memref<128x1024xf32, #tpu.memory_space<any>>
    %dma_wait3A_1193 = arith.constant 128 : i32
    %dma_wait3A_1194 = arith.constant 0 : i32
    %dma_wait3A_1195 = tpu.memref_slice %arg6[%dma_wait3A_1193, %dma_wait3A_1194] : memref<1024x1024xf32, #tpu.memory_space<vmem>> -> memref<128x1024xf32, #tpu.memory_space<vmem>>
    tpu.wait_dma2 semaphore(%arg12 : memref<!tpu.dma_semaphore, #tpu.memory_space<semaphore_mem>>) src(%dma_wait3A_1195 : memref<128x1024xf32, #tpu.memory_space<vmem>>) dst(%dma_wait3A_1192 : memref<128x1024xf32, #tpu.memory_space<any>>)
    %dma_wait3A_1196 = arith.constant 5376 : i32
    %dma_wait3A_1197 = arith.constant 0 : i32
    %dma_wait3A_1198 = tpu.memref_slice %arg1[%dma_wait3A_1196, %dma_wait3A_1197] : memref<6144x1024xf32, #tpu.memory_space<any>> -> memref<128x1024xf32, #tpu.memory_space<any>>
    %dma_wait3A_1199 = arith.constant 256 : i32
    %dma_wait3A_1200 = arith.constant 0 : i32
    %dma_wait3A_1201 = tpu.memref_slice %arg6[%dma_wait3A_1199, %dma_wait3A_1200] : memref<1024x1024xf32, #tpu.memory_space<vmem>> -> memref<128x1024xf32, #tpu.memory_space<vmem>>
    tpu.wait_dma2 semaphore(%arg12 : memref<!tpu.dma_semaphore, #tpu.memory_space<semaphore_mem>>) src(%dma_wait3A_1201 : memref<128x1024xf32, #tpu.memory_space<vmem>>) dst(%dma_wait3A_1198 : memref<128x1024xf32, #tpu.memory_space<any>>)
    %dma_wait3A_1202 = arith.constant 5504 : i32
    %dma_wait3A_1203 = arith.constant 0 : i32
    %dma_wait3A_1204 = tpu.memref_slice %arg1[%dma_wait3A_1202, %dma_wait3A_1203] : memref<6144x1024xf32, #tpu.memory_space<any>> -> memref<128x1024xf32, #tpu.memory_space<any>>
    %dma_wait3A_1205 = arith.constant 384 : i32
    %dma_wait3A_1206 = arith.constant 0 : i32
    %dma_wait3A_1207 = tpu.memref_slice %arg6[%dma_wait3A_1205, %dma_wait3A_1206] : memref<1024x1024xf32, #tpu.memory_space<vmem>> -> memref<128x1024xf32, #tpu.memory_space<vmem>>
    tpu.wait_dma2 semaphore(%arg12 : memref<!tpu.dma_semaphore, #tpu.memory_space<semaphore_mem>>) src(%dma_wait3A_1207 : memref<128x1024xf32, #tpu.memory_space<vmem>>) dst(%dma_wait3A_1204 : memref<128x1024xf32, #tpu.memory_space<any>>)
    %dma_wait3A_1208 = arith.constant 5632 : i32
    %dma_wait3A_1209 = arith.constant 0 : i32
    %dma_wait3A_1210 = tpu.memref_slice %arg1[%dma_wait3A_1208, %dma_wait3A_1209] : memref<6144x1024xf32, #tpu.memory_space<any>> -> memref<128x1024xf32, #tpu.memory_space<any>>
    %dma_wait3A_1211 = arith.constant 512 : i32
    %dma_wait3A_1212 = arith.constant 0 : i32
    %dma_wait3A_1213 = tpu.memref_slice %arg6[%dma_wait3A_1211, %dma_wait3A_1212] : memref<1024x1024xf32, #tpu.memory_space<vmem>> -> memref<128x1024xf32, #tpu.memory_space<vmem>>
    tpu.wait_dma2 semaphore(%arg12 : memref<!tpu.dma_semaphore, #tpu.memory_space<semaphore_mem>>) src(%dma_wait3A_1213 : memref<128x1024xf32, #tpu.memory_space<vmem>>) dst(%dma_wait3A_1210 : memref<128x1024xf32, #tpu.memory_space<any>>)
    %dma_wait3A_1214 = arith.constant 5760 : i32
    %dma_wait3A_1215 = arith.constant 0 : i32
    %dma_wait3A_1216 = tpu.memref_slice %arg1[%dma_wait3A_1214, %dma_wait3A_1215] : memref<6144x1024xf32, #tpu.memory_space<any>> -> memref<128x1024xf32, #tpu.memory_space<any>>
    %dma_wait3A_1217 = arith.constant 640 : i32
    %dma_wait3A_1218 = arith.constant 0 : i32
    %dma_wait3A_1219 = tpu.memref_slice %arg6[%dma_wait3A_1217, %dma_wait3A_1218] : memref<1024x1024xf32, #tpu.memory_space<vmem>> -> memref<128x1024xf32, #tpu.memory_space<vmem>>
    tpu.wait_dma2 semaphore(%arg12 : memref<!tpu.dma_semaphore, #tpu.memory_space<semaphore_mem>>) src(%dma_wait3A_1219 : memref<128x1024xf32, #tpu.memory_space<vmem>>) dst(%dma_wait3A_1216 : memref<128x1024xf32, #tpu.memory_space<any>>)
    %dma_wait3A_1220 = arith.constant 5888 : i32
    %dma_wait3A_1221 = arith.constant 0 : i32
    %dma_wait3A_1222 = tpu.memref_slice %arg1[%dma_wait3A_1220, %dma_wait3A_1221] : memref<6144x1024xf32, #tpu.memory_space<any>> -> memref<128x1024xf32, #tpu.memory_space<any>>
    %dma_wait3A_1223 = arith.constant 768 : i32
    %dma_wait3A_1224 = arith.constant 0 : i32
    %dma_wait3A_1225 = tpu.memref_slice %arg6[%dma_wait3A_1223, %dma_wait3A_1224] : memref<1024x1024xf32, #tpu.memory_space<vmem>> -> memref<128x1024xf32, #tpu.memory_space<vmem>>
    tpu.wait_dma2 semaphore(%arg12 : memref<!tpu.dma_semaphore, #tpu.memory_space<semaphore_mem>>) src(%dma_wait3A_1225 : memref<128x1024xf32, #tpu.memory_space<vmem>>) dst(%dma_wait3A_1222 : memref<128x1024xf32, #tpu.memory_space<any>>)
    %dma_wait3A_1226 = arith.constant 6016 : i32
    %dma_wait3A_1227 = arith.constant 0 : i32
    %dma_wait3A_1228 = tpu.memref_slice %arg1[%dma_wait3A_1226, %dma_wait3A_1227] : memref<6144x1024xf32, #tpu.memory_space<any>> -> memref<128x1024xf32, #tpu.memory_space<any>>
    %dma_wait3A_1229 = arith.constant 896 : i32
    %dma_wait3A_1230 = arith.constant 0 : i32
    %dma_wait3A_1231 = tpu.memref_slice %arg6[%dma_wait3A_1229, %dma_wait3A_1230] : memref<1024x1024xf32, #tpu.memory_space<vmem>> -> memref<128x1024xf32, #tpu.memory_space<vmem>>
    tpu.wait_dma2 semaphore(%arg12 : memref<!tpu.dma_semaphore, #tpu.memory_space<semaphore_mem>>) src(%dma_wait3A_1231 : memref<128x1024xf32, #tpu.memory_space<vmem>>) dst(%dma_wait3A_1228 : memref<128x1024xf32, #tpu.memory_space<any>>)
    %dma_wait3A_1232 = arith.constant 3 : i32
    %dma_wait3A_1233 = arith.constant 0 : i32
    %dma_wait3A_1234 = arith.constant 0 : i32
    %dma_wait3A_1235 = tpu.memref_slice %arg2[%dma_wait3A_1232, %dma_wait3A_1233, %dma_wait3A_1234] : memref<4x1x1024xi32, #tpu.memory_space<any>> -> memref<1x1x1024xi32, #tpu.memory_space<any>>
    %dma_wait3A_1236 = tpu.memref_squeeze %dma_wait3A_1235 : memref<1x1x1024xi32, #tpu.memory_space<any>> -> memref<1x1024xi32, #tpu.memory_space<any>>
    tpu.wait_dma2 semaphore(%arg14 : memref<!tpu.dma_semaphore, #tpu.memory_space<semaphore_mem>>) src(%arg8 : memref<1x1024xi32, #tpu.memory_space<vmem>>) dst(%dma_wait3A_1236 : memref<1x1024xi32, #tpu.memory_space<any>>)
    return
  }
}

</mosaic_0001>

<sc_bundles>
// kernel: kernel.4.cloned.1.call-start
scs
__scs_entry_jumppad:
0x0: {  	(pc) =	sbr.rel $0x88, $3  }
0x1: {  	(tag) =	ssettag $0x0;
	lr =	simm.s32 $0x1  }
0x2: {  	[smem:$0x3FA0] =	sst lr;
	_ =	strace $0xD0000000  }
0x3: {  	_ = 	snop  }
0x4: {  	_ = 	snop  }
0x5: {  	_ = 	snop  }
0x6: {  	_ = 	snop  }
0x7: {  	_ = 	snop  }
__scs_overlays_trampoline_lowered:
0x8: {  	[smem:$0x3FAF] =	sst s0  }
0x9: {  	[smem:$0x3FB0] =	sst s1  }
0xa: {  	[smem:$0x3FB1] =	sst s2  }
0xb: {  	[smem:$0x3FB2] =	sst s3  }
0xc: {  	[smem:$0x3FB3] =	sst s4  }
0xd: {  	[smem:$0x3FB4] =	sst s5  }
0xe: {  	[smem:$0x3FB5] =	sst s6  }
0xf: {  	[smem:$0x3FB6] =	sst s7  }
0x10: {  	[smem:$0x3FB7] =	sst s8  }
0x11: {  	[smem:$0x3FB8] =	sst s9;
	s0 =	simm.s32 @!p0 $0x0  }
0x12: {  	s1 =	sld [smem:$0x3F9E];
	s0 =	simm.s32 @p0 $0x1  }
0x13: {  	[smem:$0x3FB9] =	sst s0;
	s0 =	simm.s32 @!p1 $0x0  }
0x14: {  	s2 =	sld [smem:$0x3F9D];
	s0 =	simm.s32 @p1 $0x1  }
0x15: {  	[smem:$0x3FBA] =	sst s0;
	s0 =	simm.s32 @!p2 $0x0  }
0x16: {  	s3 =	sld [smem:$0x3FDB];
	s0 =	simm.s32 @p2 $0x1  }
0x17: {  	s4 =	simm.s32 $0x1BF5;
	[smem:$0x3FBC] =	sst s0  }
0x18: {  	s0 =	sld [smem:$0x3F9F];
	_ =	swait.ge [sflag:s4], $0x0  }
0x19: {  	s7 =	sld [smem:$0x3FA0]  }
0x1a: {  	s8 =	sadd.s32 $0xFFFFE003, lr  }
0x1b: {  	s9 =	sadd.s32 $0xFFFFFEF7, lr;
	s5 =	simm.s32 $0xFFFFFFFF;
	p2 =	slt.u32 s8, $0xFFFFF086  }
0x1c: {  	p1 =	slt.u32 s9, $0xF7A;
	s5 =	simm.s32 @!p2 $0x0  }
0x1d: {  	s5 =	simm.s32 @p1 $0x1;
	p0 =	seq.s32 s7, s2  }
0x1e: {  	s7 =	smul.u32 @!p0 $0xF7A, s2;
	p2 =	seq.s32 @!p0 s5, $0x0  }
0x1f: {  	s9 =	smul.u32 $0xF7A, s1;
	s8 =	simm.s32 @!p0 $0x1BF5;
	p2 =	por !p2, p0  }
0x20: {  	[sflag:s8] =	ssyncset.s32 @!p0 $0xFFFFF086;
	s6 =	sadd.s32 @!p0 s3, s7;
	s7 =	simm.s32 @!p0 $0x108  }
0x21: {  	s3 =	sadd.s32 s3, s9;
	s6 =	sadd.s32 @!p0 $0x88, s6;
	s7 =	simm.s32 @p2 $0x1082  }
0x22: {  	[simem:s7], [sflag:s8] =	dma.local @!p0 [hbm:s6], $0xF7A  }
0x23: {  	s9 =	sor.u32 $0xD0000000, s2;
	s6 =	simm.s32 $0x108;
	_ =	swait.ge @!p0 [sflag:s8], $0x0  }
0x24: {  	s3 =	sadd.s32 $0x88, s3;
	s6 =	simm.s32 @!p1 $0x1082;
	[sflag:s4] =	ssyncset.s32 $0xFFFFF086  }
0x25: {  	[simem:s6], [sflag:s4] =	dma.local [hbm:s3], $0xF7A  }
0x26: {  	[smem:$0x3FA0] =	sst s1;
	(tag) =	ssettag s2;
	_ =	strace s9  }
0x27: {  	s1 =	sld [smem:$0x3FB0]  }
0x28: {  	s2 =	sld [smem:$0x3FB1]  }
0x29: {  	s4 =	sld [smem:$0x3FB3]  }
0x2a: {  	p0 =	seq.s32 s5, $0x0;
	s5 =	sld [smem:$0x3FB4]  }
0x2b: {  	s6 =	sld [smem:$0x3FB5]  }
0x2c: {  	s7 =	sld [smem:$0x3FB6]  }
0x2d: {  	s3 =	simm.s32 $0x108;
	s8 =	sld [smem:$0x3FB7]  }
0x2e: {  	s3 =	simm.s32 @!p0 $0x1082;
	s9 =	sld [smem:$0x3FB8]  }
0x2f: {  	lr =	sadd.s32 s0, s3;
	s0 =	sld [smem:$0x3FAF]  }
0x30: {  	s3 =	sld [smem:$0x3FB2]  }
0x31: {  	[smem:$0x3FBB] =	sst s10  }
0x32: {  	s10 =	sld [smem:$0x3FB9];
	_ =	sdelay $0x3  }
0x33: {  	p0 =	seq.s32 s10, $0x1;
	s10 =	sld [smem:$0x3FBB];
	_ =	sdelay $0x3  }
0x34: {  	[smem:$0x3FBB] =	sst s10  }
0x35: {  	s10 =	sld [smem:$0x3FBA];
	_ =	sdelay $0x3  }
0x36: {  	p1 =	seq.s32 s10, $0x1;
	s10 =	sld [smem:$0x3FBB];
	_ =	sdelay $0x3  }
0x37: {  	[smem:$0x3FBB] =	sst s10  }
0x38: {  	s10 =	sld [smem:$0x3FBC]  }
0x39: {  	_ = 	snop;
	(pc) =	sbr.ind lr, $3  }
0x3a: {  	_ = 	snop  }
0x3b: {  	_ = 	snop  }
0x3c: {  	p2 =	seq.s32 s10, $0x1;
	s10 =	sld [smem:$0x3FBB]  }
0x3d: {  	_ =	shalt  }
0x3e: {  	_ =	shalt  }
0x3f: {  	_ =	shalt  }
0x40: {  	_ =	shalt  }
0x41: {  	_ =	shalt  }
0x42: {  	_ =	shalt  }
0x43: {  	_ =	shalt  }
0x44: {  	_ =	shalt  }
0x45: {  	_ =	shalt  }
0x46: {  	_ =	shalt  }
0x47: {  	_ =	shalt  }
0x48: {  	_ =	shalt  }
0x49: {  	_ =	shalt  }
0x4a: {  	_ =	shalt  }
0x4b: {  	_ =	shalt  }
0x4c: {  	_ =	shalt  }
0x4d: {  	_ =	shalt  }
0x4e: {  	_ =	shalt  }
0x4f: {  	_ =	shalt  }
0x50: {  	_ =	shalt  }
0x51: {  	_ =	shalt  }
0x52: {  	_ =	shalt  }
0x53: {  	_ =	shalt  }
0x54: {  	_ =	shalt  }
0x55: {  	_ =	shalt  }
0x56: {  	_ =	shalt  }
0x57: {  	_ =	shalt  }
0x58: {  	_ =	shalt  }
0x59: {  	_ =	shalt  }
0x5a: {  	_ =	shalt  }
0x5b: {  	_ =	shalt  }
0x5c: {  	_ =	shalt  }
0x5d: {  	_ =	shalt  }
0x5e: {  	_ =	shalt  }
0x5f: {  	_ =	shalt  }
0x60: {  	_ =	shalt  }
0x61: {  	_ =	shalt  }
0x62: {  	_ =	shalt  }
0x63: {  	_ =	shalt  }
0x64: {  	_ =	shalt  }
0x65: {  	_ =	shalt  }
0x66: {  	_ =	shalt  }
0x67: {  	_ =	shalt  }
0x68: {  	_ =	shalt  }
0x69: {  	_ =	shalt  }
0x6a: {  	_ =	shalt  }
0x6b: {  	_ =	shalt  }
0x6c: {  	_ =	shalt  }
0x6d: {  	_ =	shalt  }
0x6e: {  	_ =	shalt  }
0x6f: {  	_ =	shalt  }
0x70: {  	_ =	shalt  }
0x71: {  	_ =	shalt  }
0x72: {  	_ =	shalt  }
0x73: {  	_ =	shalt  }
0x74: {  	_ =	shalt  }
0x75: {  	_ =	shalt  }
0x76: {  	_ =	shalt  }
0x77: {  	_ =	shalt  }
0x78: {  	_ =	shalt  }
0x79: {  	_ =	shalt  }
0x7a: {  	_ =	shalt  }
0x7b: {  	_ =	shalt  }
0x7c: {  	_ =	shalt  }
0x7d: {  	_ =	shalt  }
0x7e: {  	_ =	shalt  }
0x7f: {  	_ =	shalt  }
0x80: {  	_ =	shalt  }
0x81: {  	_ =	shalt  }
0x82: {  	_ =	shalt  }
0x83: {  	_ =	shalt  }
0x84: {  	_ =	shalt  }
0x85: {  	_ =	shalt  }
0x86: {  	_ =	shalt  }
0x87: {  	_ =	shalt  }
.Lfunc_end0:
.L_simem_size_0:
called_computation_lowered:
.L_overlay_start_0:
0x88: {  	s2 =	sld [smem:$0x3FD9]  }
0x89: {  	s3 =	sld [smem:$0x3FFE];
	_ =	sdelay $0x1  }
0x8a: {  	s1 =	srdreg.scid  }
0x8b: {  	s0 =	sand.u32 $0x1, s1  }
0x8c: {  	s17 =	sshll.u32 s0, $0xA;
	s2 =	sadd.s32 s3, s2  }
0x8d: {  	s2 =	sadd.s32 s2, s17  }
0x8e: {  	[smem:$0x3FC7] =	sst s2  }
0x8f: {  	_ = 	snop  }
0x90: {  	s2 =	sld [smem:$0x3FC9]  }
0x91: {  	s18 =	sld [smem:$0x3FD0];
	(tm) =	ssettm $0x1  }
0x92: {  	s4 =	sld [smem:$0x3FFB];
	_ =	sdelay $0x3  }
0x93: {  	_ =	strace s4  }
0x94: {  	s4 =	sld [smem:$0x3FFC];
	_ =	sdelay $0x3  }
0x95: {  	_ =	strace s4  }
0x96: {  	s4 =	sld [smem:$0x3FFD];
	_ =	sdelay $0x3  }
0x97: {  	_ =	strace s4  }
0x98: {  	_ =	strace $0x8FFFFFFF  }
0x99: {  	s19 =	sld [smem:$0x3FDB];
	_ =	sdelay $0x1  }
0x9a: {  	s5 =	simm.s32 $_scs_section_size  }
0x9b: {  	s6 =	simm.s32 $_size__tile_overlayer_lowered;
	s7 =	simm.s32 $_tile_overlayer_lowered  }
0x9c: {  	s22 =	simm.s32 $0x1BFF;
	s21 =	sshll.u32 s7, $0x1;
	s4 =	sadd.s32 s5, s19  }
0x9d: {  	s8 =	simm.s32 $0x0;
	s20 =	sshll.u32 s6, $0x1;
	s6 =	sadd.s32 s21, s4  }
0x9e: {  	[timem:s8], [sflag:s22] =	dma.local [hbm:s6], s20  }
0x9f: {  	_ =	swait.ge [sflag:s22], s20  }
0xa0: {  	s5 =	ssub.s32 $0x0, s20;
	[sflag:s22] =	ssyncset.done $0x0  }
0xa1: {  	[sflag:s22] =	ssyncadd.s32 s5;
	_ =	sdelay $0x1  }
0xa2: {  	s23 =	simm.s32 $0x1B8B  }
0xa3: {  	_ =	swait.ge [sflag:s23], $0x1  }
0xa4: {  	[sflag:s23] =	ssyncset.done $0x0  }
0xa5: {  	s25 =	simm.s32 $0x1B8E;
	s24 =	sld [smem:$0x3FFE];
	[sflag:s23] =	ssyncadd.s32 $0xFFFFFFFF  }
0xa6: {  	s26 =	simm.s32 $execute0_lowered;
	[smem:$0x3FD2] =	sst s25  }
0xa7: {  	s6 =	sshll.u32 s26, $0x1;
	_ =	strace $0x80000046;
	[dreg:$0x1] =	wrdreg $0xFFFFFFFF  }
0xa8: {  	s28 =	simm.s32 $_size_execute0_lowered;
	s4 =	sadd.s32 s4, s6;
	[dreg:$0x0] =	wrdreg $0x0  }
0xa9: {  	s6 =	sshll.u32 s28, $0x1;
	[dreg:$0x2] =	wrdreg s4  }
0xaa: {  	[dreg:$0x3] =	wrdreg s6  }
0xab: {  	[dreg:$0x4] =	wrdreg $0xC0  }
0xac: {  	_ =	task [dreg:s8], $0x5FFFF  }
0xad: {  	[dreg:$0x1] =	wrdreg $0xFFFFFFFF  }
0xae: {  	[dreg:$0x0] =	wrdreg $0x60  }
0xaf: {  	[dreg:$0x2] =	wrdreg s2  }
0xb0: {  	[dreg:$0x3] =	wrdreg s24  }
0xb1: {  	[dreg:$0x4] =	wrdreg s18  }
0xb2: {  	[dreg:$0x5] =	wrdreg $0x9  }
0xb3: {  	_ =	task.clear_ibuf [dreg:s8], $0x6FFFF;
	_ =	strace $0x90000046  }
0xb4: {  	s29 =	simm.s32 $0x9;
	_ =	strace $0x80000048  }
0xb5: {  	_ =	swait.ge [sflag:s29], $0x1  }
0xb6: {  	[sflag:s29] =	ssyncadd.s32 $0xFFFFFFFF  }
0xb7: {  	_ =	strace $0x90000048  }
0xb8: {  	_ =	sfence  }
0xb9: {  	s30 =	sld [smem:$0x0];
	_ =	sdelay $0x2  }
0xba: {  	s31 =	sshll.u32 s1, $0xD;
	s1 =	sshrl.u32 s1, $0x2  }
0xbb: {  	s3 =	sand.u32 $0x4000, s31;
	s1 =	sadd.s32 s1, s30  }
0xbc: {  	s0 =	sor.u32 s3, s0;
	s1 =	sshll.u32 s1, $0x11  }
0xbd: {  	s0 =	sor.u32 s1, s0  }
0xbe: {  	s0 =	sadd.s32 $0x8F2B, s0  }
0xbf: {  	[sflag:s0] =	ssyncadd.remote.s32 $0x1  }
0xc0: {  	_ =	sfence.sel $0xFFFF  }
0xc1: {  	[dreg:$0x0] =	wrdreg $0xFFFFFFFF;
	(pc) =	sbr.abs _section_cstart, $3  }
0xc2: {  	[dreg:$0x1] =	wrdreg $0xFFFFFFFF  }
0xc3: {  	_ =	task.clear_ibuf [dreg:s8], $0x2FFFF;
	_ =	strace $0x9FFFFFFF  }
0xc4: {  	(tm) =	ssettm $0x7FFFFFFF  }
0xc5: {  	_ =	shalt  }
tec
execute0_lowered:
.L_overlay_start_1:
0x0: {  	(tag) =	ssettag $0x1  }
0x1: {  	s2 =	rddreg [dreg:$0x0]  }
0x2: {  	s0 =	rddreg [dreg:$0x1]  }
0x3: {  	s4 =	rddreg [dreg:$0x2]  }
0x4: {  	s3 =	srdreg.scid;
	s1 =	stileid.u32;
	s15 =	simm.s32 $0x10000  }
0x5: {  	s16 =	simm.s32 $0x800;
	s18 =	simm.s32 $0x1000;
	s19 =	simm.s32 $0x1800  }
0x6: {  	s21 =	simm.s32 $0x2000;
	s5 =	sand.u32 $0x1, s3;
	s3 =	simm.s32 $0x0  }
0x7: {  	s22 =	simm.s32 $0x2800;
	s23 =	simm.s32 $0x3000;
	[smem:$0x7FF] =	sst s3  }
0x8: {  	s24 =	simm.s32 $0x3800;
	_ =	strace $0x80000047;
	[dreg:$0x6] =	wrdreg s15  }
0x9: {  	s25 =	simm.s32 $0x4000;
	s26 =	simm.s32 $0x4800;
	[dreg:$0x7] =	wrdreg s16  }
0xa: {  	s10 =	simm.s32 $0x5800;
	s11 =	simm.s32 $0x6000;
	[dreg:$0x8] =	wrdreg s18  }
0xb: {  	s12 =	simm.s32 $0x6800;
	s13 =	simm.s32 $0x7000;
	[dreg:$0x9] =	wrdreg s19  }
0xc: {  	s28 =	simm.s32 $0xE000;
	s29 =	simm.s32 $0xE800;
	[dreg:$0xa] =	wrdreg s21  }
0xd: {  	s30 =	simm.s32 $0xF000;
	s31 =	simm.s32 $0xF800;
	[dreg:$0xb] =	wrdreg s22  }
0xe: {  	s6 =	sshll.u32 s1, $0x1;
	s7 =	sshrl.u32 s1, $0x2;
	[dreg:$0xc] =	wrdreg s23  }
0xf: {  	s6 =	sor.u32 s5, s6;
	s7 =	smul.u32 $0x30000, s7;
	[dreg:$0xd] =	wrdreg s24  }
0x10: {  	s17 =	ssub.s32 $0x2, s5;
	s8 =	sshll.u32 s6, $0x3;
	[dreg:$0xe] =	wrdreg s25  }
0x11: {  	s6 =	sshll.u32 s6, $0xD;
	s5 =	sshrl.u32 s17, $0x1;
	[dreg:$0xf] =	wrdreg s26  }
0x12: {  	s15 =	simm.s32 $0x8000;
	s16 =	simm.s32 $0x8800;
	s18 =	simm.s32 $0x9800  }
0x13: {  	s19 =	simm.s32 $0xA000;
	s21 =	simm.s32 $0xB000;
	s22 =	simm.s32 $0xB800  }
0x14: {  	s23 =	simm.s32 $0xC000;
	s24 =	simm.s32 $0xC800;
	s25 =	simm.s32 $0xD000  }
0x15: {  	s26 =	simm.s32 $0xD800;
	s0 =	sadd.s32 s8, s0;
	s6 =	sand.u32 $0xE000, s6  }
0x16: {  	s4 =	sadd.s32 s4, s7;
	s20 =	ssub.s32 s17, s5;
	s5 =	sadd.s32 $0x200, s2  }
0x17: {  	s8 =	simm.s32 $0x2;
	s17 =	simm.s32 $0x9000;
	s0 =	sadd.s32 $0x600, s0  }
0x18: {  	v2 =	vlaneseq.u32;
	s14 =	sadd.s32 s6, s4;
	s4 =	sadd.s32 $0x100, s2;
	s6 =	sadd.s32 $0x300, s2  }
0x19: {  	vm0 =	vmmov $0xffff;
	v1 =	vshrl.u32 v2, $0x3;
	s7 =	smax.u32 s20, $0x1;
	s20 =	simm.s32 $0xA800;
	[dreg:$0x4] =	wrdreg s0  }
0x1a: {  	v0 =	vand.u32 $0x7, v2;
	v2 =	vor.u32 $0x8, v2;
	v1 =	vmul.u32 $0x8, v1;
	[dreg:$0x5] =	wrdreg s14;
	s14 =	simm.s32 $0x7800;
	s0 =	simm.s32 $0x1  }
.LBB2_1:
0x1b: {  	s1 =	rddreg [dreg:$0x4]  }
0x1c: {  	s9 =	rddreg [dreg:$0x6]  }
0x1d: {  	[tilespmem:s9], [sflag:$0x2] =	stream.linear.gather [hbm4b:s1+s3], $0x40, $0x38;
	[tilespmem:$0x10080] =	vst v63  }
0x1e: {  	_ =	swait.ge [sflag:s8], $0x40  }
0x1f: {  	[sflag:s8] =	ssyncset.done $0x0  }
0x20: {  	[sflag:s8] =	ssyncadd.s32 $0xFFFFFFC0  }
0x21: {  	v3 =	vld [tilespmem:$0x10000];
	_ =	sdelay $0x4  }
0x22: {  	v4 =	vshll.u32 v3, $0x3  }
0x23: {  	v3 =	vand.u32 $0x7, v3;
	v4 =	vand.u32 $0xFFFFFFC0, v4  }
0x24: {  	v3 =	vor.u32 v3, v4  }
0x25: {  	v4 =	vperm.xlane v3, v0;
	_ =	sdelay $0x1  }
0x26: {  	v4 =	vadd.s32 v1, v4;
	_ =	sdelay $0x4  }
0x27: {  	[tilespmem:s3], [sflag:$0x1] =	stream.indirect_vreg.gather [hbm4b:s2+s3], $0x80, v4, vm0, $0xb8;
	[tilespmem:$0x10080] =	vst v63  }
0x28: {  	s1 =	rddreg [dreg:$0x7];
	v3 =	vperm.xlane v3, v2  }
0x29: {  	[tilespmem:s1], [sflag:$0x1] =	stream.indirect_vreg.gather [hbm4b:s4+s3], $0x80, v4, vm0, $0xb8;
	[tilespmem:$0x10080] =	vst v63  }
0x2a: {  	s9 =	rddreg [dreg:$0x8];
	v3 =	vadd.s32 v1, v3  }
0x2b: {  	[tilespmem:s9], [sflag:$0x1] =	stream.indirect_vreg.gather [hbm4b:s5+s3], $0x80, v4, vm0, $0xb8;
	[tilespmem:$0x10080] =	vst v63  }
0x2c: {  	s1 =	rddreg [dreg:$0x9]  }
0x2d: {  	[tilespmem:s1], [sflag:$0x1] =	stream.indirect_vreg.gather [hbm4b:s6+s3], $0x80, v4, vm0, $0xb8;
	[tilespmem:$0x10080] =	vst v63  }
0x2e: {  	s9 =	rddreg [dreg:$0xa]  }
0x2f: {  	[tilespmem:s9], [sflag:$0x1] =	stream.indirect_vreg.gather [hbm4b:s2+s3], $0x80, v3, vm0, $0xb8;
	[tilespmem:$0x10080] =	vst v63  }
0x30: {  	s1 =	rddreg [dreg:$0xb]  }
0x31: {  	[tilespmem:s1], [sflag:$0x1] =	stream.indirect_vreg.gather [hbm4b:s4+s3], $0x80, v3, vm0, $0xb8;
	[tilespmem:$0x10080] =	vst v63  }
0x32: {  	s9 =	rddreg [dreg:$0xc]  }
0x33: {  	[tilespmem:s9], [sflag:$0x1] =	stream.indirect_vreg.gather [hbm4b:s5+s3], $0x80, v3, vm0, $0xb8;
	[tilespmem:$0x10080] =	vst v63  }
0x34: {  	s1 =	rddreg [dreg:$0xd]  }
0x35: {  	[tilespmem:s1], [sflag:$0x1] =	stream.indirect_vreg.gather [hbm4b:s6+s3], $0x80, v3, vm0, $0xb8;
	[tilespmem:$0x10080] =	vst v63  }
0x36: {  	v3 =	vld [tilespmem:$0x10010];
	_ =	sdelay $0x4  }
0x37: {  	v61 =	vshll.u32 v3, $0x3  }
0x38: {  	v3 =	vand.u32 $0x7, v3;
	v4 =	vand.u32 $0xFFFFFFC0, v61  }
0x39: {  	v3 =	vor.u32 v3, v4  }
0x3a: {  	v4 =	vperm.xlane v3, v0;
	_ =	sdelay $0x1  }
0x3b: {  	v4 =	vadd.s32 v1, v4;
	_ =	sdelay $0x3  }
0x3c: {  	s1 =	rddreg [dreg:$0xe]  }
0x3d: {  	[tilespmem:s1], [sflag:$0x1] =	stream.indirect_vreg.gather [hbm4b:s2+s3], $0x80, v4, vm0, $0xb8;
	[tilespmem:$0x10080] =	vst v63  }
0x3e: {  	s9 =	rddreg [dreg:$0xf];
	v3 =	vperm.xlane v3, v2  }
0x3f: {  	[tilespmem:s9], [sflag:$0x1] =	stream.indirect_vreg.gather [hbm4b:s4+s3], $0x80, v4, vm0, $0xb8;
	[tilespmem:$0x10080] =	vst v63  }
0x40: {  	v3 =	vadd.s32 v1, v3;
	s9 =	simm.s32 $0x5000  }
0x41: {  	[tilespmem:s9], [sflag:$0x1] =	stream.indirect_vreg.gather [hbm4b:s5+s3], $0x80, v4, vm0, $0xb8;
	[tilespmem:$0x10080] =	vst v63  }
0x42: {  	_ = 	snop  }
0x43: {  	[tilespmem:s10], [sflag:$0x1] =	stream.indirect_vreg.gather [hbm4b:s6+s3], $0x80, v4, vm0, $0xb8;
	[tilespmem:$0x10080] =	vst v63  }
0x44: {  	_ = 	snop  }
0x45: {  	[tilespmem:s11], [sflag:$0x1] =	stream.indirect_vreg.gather [hbm4b:s2+s3], $0x80, v3, vm0, $0xb8;
	[tilespmem:$0x10080] =	vst v63  }
0x46: {  	_ = 	snop  }
0x47: {  	[tilespmem:s12], [sflag:$0x1] =	stream.indirect_vreg.gather [hbm4b:s4+s3], $0x80, v3, vm0, $0xb8;
	[tilespmem:$0x10080] =	vst v63  }
0x48: {  	_ = 	snop  }
0x49: {  	[tilespmem:s13], [sflag:$0x1] =	stream.indirect_vreg.gather [hbm4b:s5+s3], $0x80, v3, vm0, $0xb8;
	[tilespmem:$0x10080] =	vst v63  }
0x4a: {  	_ = 	snop  }
0x4b: {  	[tilespmem:s14], [sflag:$0x1] =	stream.indirect_vreg.gather [hbm4b:s6+s3], $0x80, v3, vm0, $0xb8;
	[tilespmem:$0x10080] =	vst v63  }
0x4c: {  	v3 =	vld [tilespmem:$0x10020];
	_ =	sdelay $0x4  }
0x4d: {  	v62 =	vshll.u32 v3, $0x3  }
0x4e: {  	v3 =	vand.u32 $0x7, v3;
	v4 =	vand.u32 $0xFFFFFFC0, v62  }
0x4f: {  	v3 =	vor.u32 v3, v4  }
0x50: {  	v4 =	vperm.xlane v3, v0;
	_ =	sdelay $0x1  }
0x51: {  	v4 =	vadd.s32 v1, v4;
	_ =	sdelay $0x4  }
0x52: {  	[tilespmem:s15], [sflag:$0x1] =	stream.indirect_vreg.gather [hbm4b:s2+s3], $0x80, v4, vm0, $0xb8;
	[tilespmem:$0x10080] =	vst v63  }
0x53: {  	v3 =	vperm.xlane v3, v2  }
0x54: {  	[tilespmem:s16], [sflag:$0x1] =	stream.indirect_vreg.gather [hbm4b:s4+s3], $0x80, v4, vm0, $0xb8;
	[tilespmem:$0x10080] =	vst v63  }
0x55: {  	v3 =	vadd.s32 v1, v3  }
0x56: {  	[tilespmem:s17], [sflag:$0x1] =	stream.indirect_vreg.gather [hbm4b:s5+s3], $0x80, v4, vm0, $0xb8;
	[tilespmem:$0x10080] =	vst v63  }
0x57: {  	_ = 	snop  }
0x58: {  	[tilespmem:s18], [sflag:$0x1] =	stream.indirect_vreg.gather [hbm4b:s6+s3], $0x80, v4, vm0, $0xb8;
	[tilespmem:$0x10080] =	vst v63  }
0x59: {  	_ = 	snop  }
0x5a: {  	[tilespmem:s19], [sflag:$0x1] =	stream.indirect_vreg.gather [hbm4b:s2+s3], $0x80, v3, vm0, $0xb8;
	[tilespmem:$0x10080] =	vst v63  }
0x5b: {  	_ = 	snop  }
0x5c: {  	[tilespmem:s20], [sflag:$0x1] =	stream.indirect_vreg.gather [hbm4b:s4+s3], $0x80, v3, vm0, $0xb8;
	[tilespmem:$0x10080] =	vst v63  }
0x5d: {  	_ = 	snop  }
0x5e: {  	[tilespmem:s21], [sflag:$0x1] =	stream.indirect_vreg.gather [hbm4b:s5+s3], $0x80, v3, vm0, $0xb8;
	[tilespmem:$0x10080] =	vst v63  }
0x5f: {  	_ = 	snop  }
0x60: {  	[tilespmem:s22], [sflag:$0x1] =	stream.indirect_vreg.gather [hbm4b:s6+s3], $0x80, v3, vm0, $0xb8;
	[tilespmem:$0x10080] =	vst v63  }
0x61: {  	v3 =	vld [tilespmem:$0x10030];
	_ =	sdelay $0x4  }
0x62: {  	v63 =	vshll.u32 v3, $0x3  }
0x63: {  	v3 =	vand.u32 $0x7, v3;
	v4 =	vand.u32 $0xFFFFFFC0, v63  }
0x64: {  	v3 =	vor.u32 v3, v4  }
0x65: {  	v4 =	vperm.xlane v3, v0;
	_ =	sdelay $0x1  }
0x66: {  	v4 =	vadd.s32 v1, v4;
	_ =	sdelay $0x4  }
0x67: {  	[tilespmem:s23], [sflag:$0x1] =	stream.indirect_vreg.gather [hbm4b:s2+s3], $0x80, v4, vm0, $0xb8;
	[tilespmem:$0x10080] =	vst v63  }
0x68: {  	v3 =	vperm.xlane v3, v2  }
0x69: {  	[tilespmem:s24], [sflag:$0x1] =	stream.indirect_vreg.gather [hbm4b:s4+s3], $0x80, v4, vm0, $0xb8;
	[tilespmem:$0x10080] =	vst v63  }
0x6a: {  	v3 =	vadd.s32 v1, v3  }
0x6b: {  	[tilespmem:s25], [sflag:$0x1] =	stream.indirect_vreg.gather [hbm4b:s5+s3], $0x80, v4, vm0, $0xb8;
	[tilespmem:$0x10080] =	vst v63  }
0x6c: {  	_ = 	snop  }
0x6d: {  	[tilespmem:s26], [sflag:$0x1] =	stream.indirect_vreg.gather [hbm4b:s6+s3], $0x80, v4, vm0, $0xb8;
	[tilespmem:$0x10080] =	vst v63  }
0x6e: {  	_ = 	snop  }
0x6f: {  	[tilespmem:s28], [sflag:$0x1] =	stream.indirect_vreg.gather [hbm4b:s2+s3], $0x80, v3, vm0, $0xb8;
	[tilespmem:$0x10080] =	vst v63  }
0x70: {  	_ = 	snop  }
0x71: {  	[tilespmem:s29], [sflag:$0x1] =	stream.indirect_vreg.gather [hbm4b:s4+s3], $0x80, v3, vm0, $0xb8;
	[tilespmem:$0x10080] =	vst v63  }
0x72: {  	_ = 	snop  }
0x73: {  	[tilespmem:s30], [sflag:$0x1] =	stream.indirect_vreg.gather [hbm4b:s5+s3], $0x80, v3, vm0, $0xb8;
	[tilespmem:$0x10080] =	vst v63  }
0x74: {  	_ = 	snop  }
0x75: {  	[tilespmem:s31], [sflag:$0x1] =	stream.indirect_vreg.gather [hbm4b:s6+s3], $0x80, v3, vm0, $0xb8;
	[tilespmem:$0x10080] =	vst v63  }
0x76: {  	_ =	swait.ge [sflag:s0], $0x10000  }
0x77: {  	p0 =	sne.s32 s7, $0x1;
	[sflag:s0] =	ssyncset.done $0x0  }
.Ltmp0:
0x78: {  	s9 =	rddreg [dreg:$0x5];
	[sflag:s0] =	ssyncadd.s32 $0xFFFF0000;
	(pc) =	sbr.rel @p0 .LBB2_1-.Ltmp0, $4  }
0x79: {  	[hbm4b:s9+s3] =	stream.linear.scatter [tilespmem:s3], [sflag:$0x2], $0x10000, $0x38;
	[tilespmem:$0x10080] =	vst v63  }
0x7a: {  	_ =	swait.ge [sflag:s8], $0x10000  }
0x7b: {  	[sflag:s8] =	ssyncset.done $0x0  }
0x7c: {  	s7 =	sadd.s32 $0xFFFFFFFF, s7;
	[sflag:s8] =	ssyncadd.s32 $0xFFFF0000  }
0x7d: {  	_ =	sfence.sel $0x180000  }
0x7e: {  	[bflag:$0x0] =	sbarrier.arrive $0xFFFF  }
0x7f: {  	_ =	strace $0x90000047  }
0x80: {  	s0 =	stileid.u32;
	[bflag:$0x2] =	sbarrier.arrive $0xFFFF  }
0x81: {  	p0 =	sne.s32 s0, $0x0;
	s0 =	rddreg [dreg:$0x3]  }
0x82: {  	s0 =	sadd.s32 @!p0 $0x100000, s0  }
0x83: {  	[sflag:s0] =	ssyncadd.tile.s32 @!p0 $0x1;
	_ =	shalt  }
.Lfunc_end2:
_tile_overlayer_lowered:
.L_overlay_start_2:
0x84: {  	(tag) =	ssettag $0x2  }
0x85: {  	s0 =	rddreg [dreg:$0x0];
	s2 =	stileid.u32  }
0x86: {  	s1 =	rddreg [dreg:$0x1];
	p0 =	sne.s32 s2, $0x0  }
0x87: {  	s3 =	rddreg [dreg:$0x2];
	[bflag:$0x3] =	sbarrier.arrive $0xFFFF;
	s2 =	simm.s32 @!p0 $0x1C02  }
0x88: {  	[timem:s3], [sflag:s2] =	dma.local @!p0 [hbm:s0], s1  }
0x89: {  	s0 =	simm.s32 @!p0 $0x2  }
0x8a: {  	_ =	swait.ge @!p0 [sflag:s0], s1  }
0x8b: {  	s1 =	ssub.s32 @!p0 $0x0, s1;
	[sflag:s0] =	ssyncset.done @!p0 $0x0  }
0x8c: {  	[sflag:s0] =	ssyncadd.s32 @!p0 s1  }
0x8d: {  	[bflag:$0x3] =	sbarrier.arrive $0xFFFF  }
0x8e: {  	_ =	shalt  }

</sc_bundles>
